<compile_context>
chip_gen: v7x
topology: tpu7x:2x2x1
jax: 0.10.2.dev20260603
libtpu: 0.0.44.dev20260713+nightly
codegen_flags: <defaults>
</compile_context>

<pallas_src>
import functools

import jax
import jax.numpy as jnp
from jax import lax
from jax.experimental import pallas as pl
from jax.experimental.pallas import tpu as pltpu
from jax.experimental.pallas import tpu_sc as plsc

N = 10000
E = 320000
D = 128
NP = 10240
ROWS_PER_TILE = NP // 16
C = 128
NW = 32
CPW = 80
NCH = NW * CPW
EPAD = NCH * C - E



NBUF = 2
IHALF = CPW // 2
DEG_K = 8


def _deg_body(ei3_hbm, ones_hbm, zd_hbm, deg_out, didx_all, ones_v, deg_sh,
              sem):
    c = lax.axis_index("c")
    s = lax.axis_index("s")
    c0 = (s * 2 + c) * CPW
    pltpu.sync_copy(ones_hbm, ones_v)
    pltpu.sync_copy(zd_hbm, deg_sh.at[pl.ds(s * ROWS_PER_TILE, ROWS_PER_TILE)])
    pltpu.sync_copy(ei3_hbm.at[1, pl.ds(c0, CPW)], didx_all)
    plsc.subcore_barrier()

    def group(gi, carry):
        for b in range(DEG_K):
            pltpu.async_copy(ones_v, deg_sh.at[didx_all.at[gi * DEG_K + b]],
                             sem, add=True)
        for b in range(DEG_K):
            pltpu.make_async_copy(ones_v, deg_sh.at[didx_all.at[0]],
                                  sem).wait()
        return carry

    lax.fori_loop(0, CPW // DEG_K, group, 0)
    plsc.subcore_barrier()
    sl = pl.ds(s * ROWS_PER_TILE, ROWS_PER_TILE)
    pltpu.sync_copy(deg_sh.at[sl], deg_out.at[c, sl])


def _agg_body(h_hbm, ei3_hbm, z_hbm, acc_out, sidx_all, didx_all, rows,
              acc_sh, gsem, ssem):
    c = lax.axis_index("c")
    s = lax.axis_index("s")
    c0 = (s * 2 + c) * CPW
    pltpu.sync_copy(z_hbm, acc_sh.at[pl.ds(s * ROWS_PER_TILE, ROWS_PER_TILE)])
    plsc.subcore_barrier()

    for half in range(2):
        pltpu.sync_copy(ei3_hbm.at[0, pl.ds(c0 + half * IHALF, IHALF)],
                        sidx_all)
        pltpu.sync_copy(ei3_hbm.at[1, pl.ds(c0 + half * IHALF, IHALF)],
                        didx_all)
        for b in range(NBUF):
            pltpu.async_copy(h_hbm.at[sidx_all.at[b]], rows.at[b], gsem.at[b])

        def group(gi, carry):
            for b in range(NBUF):
                g = gi * NBUF + b
                pltpu.make_async_copy(h_hbm.at[sidx_all.at[g]], rows.at[b],
                                      gsem.at[b]).wait()
            for b in range(NBUF):
                g = gi * NBUF + b

                @pl.when(g + NBUF < IHALF)
                def _():
                    pltpu.async_copy(h_hbm.at[sidx_all.at[g + NBUF]],
                                     rows.at[b], gsem.at[b])
            return carry

        lax.fori_loop(0, IHALF // NBUF, group, 0)
    plsc.subcore_barrier()
    sl = pl.ds(s * ROWS_PER_TILE, ROWS_PER_TILE)
    pltpu.sync_copy(acc_sh.at[sl], acc_out.at[c, sl])


def _sc_deg(ei3, ones_hbm, zd_hbm):
    mesh = plsc.VectorSubcoreMesh(core_axis_name="c", subcore_axis_name="s")
    f = pl.kernel(
        _deg_body,
        out_type=jax.ShapeDtypeStruct((2, NP), jnp.float32),
        mesh=mesh,
        scratch_types=[
            pltpu.VMEM((CPW, C), jnp.int32),
            pltpu.VMEM((C,), jnp.float32),
            pltpu.VMEM_SHARED((NP,), jnp.float32),
            pltpu.SemaphoreType.DMA,
        ],
    )
    return f(ei3, ones_hbm, zd_hbm)


def _sc_agg(h, ei3, z_hbm):
    mesh = plsc.VectorSubcoreMesh(core_axis_name="c", subcore_axis_name="s")
    f = pl.kernel(
        _agg_body,
        out_type=jax.ShapeDtypeStruct((2, NP, D), jnp.float32),
        mesh=mesh,
        scratch_types=[
            pltpu.VMEM((IHALF, C), jnp.int32),
            pltpu.VMEM((IHALF, C), jnp.int32),
            pltpu.VMEM((NBUF, C, D), jnp.float32),
            pltpu.VMEM_SHARED((NP, D), jnp.float32),
            pltpu.SemaphoreType.DMA((NBUF,)),
            pltpu.SemaphoreType.DMA((NBUF,)),
        ],
    )
    return f(h, ei3, z_hbm)



BLK = 1024
GRID = NP // BLK


def _swish(v):
    return v * jax.nn.sigmoid(v)


def _k1_body(x_ref, w_ref, r_ref, o_ref):
    o_ref[...] = jnp.dot(x_ref[...], w_ref[...],
                         preferred_element_type=jnp.float32) * r_ref[...]


def _tc_h1(x, W1, r):
    return pl.pallas_call(
        _k1_body,
        grid=(GRID,),
        in_specs=[
            pl.BlockSpec((BLK, D), lambda i: (i, 0)),
            pl.BlockSpec((D, D), lambda i: (0, 0)),
            pl.BlockSpec((BLK, 1), lambda i: (i, 0)),
        ],
        out_specs=pl.BlockSpec((BLK, D), lambda i: (i, 0)),
        out_shape=jax.ShapeDtypeStruct((NP, D), jnp.float32),
    )(x, W1, r)


def _k3_body(acc_ref, h_ref, r_ref, b_ref, w_ref, o_ref):
    agg = (acc_ref[0] + acc_ref[1] + h_ref[...]) * r_ref[...]
    x2 = _swish(agg + b_ref[...])
    o_ref[...] = jnp.dot(x2, w_ref[...],
                         preferred_element_type=jnp.float32) * r_ref[...]


def _tc_mid(acc, h, r, b1, W2):
    return pl.pallas_call(
        _k3_body,
        grid=(GRID,),
        in_specs=[
            pl.BlockSpec((2, BLK, D), lambda i: (0, i, 0)),
            pl.BlockSpec((BLK, D), lambda i: (i, 0)),
            pl.BlockSpec((BLK, 1), lambda i: (i, 0)),
            pl.BlockSpec((1, D), lambda i: (0, 0)),
            pl.BlockSpec((D, D), lambda i: (0, 0)),
        ],
        out_specs=pl.BlockSpec((BLK, D), lambda i: (i, 0)),
        out_shape=jax.ShapeDtypeStruct((NP, D), jnp.float32),
    )(acc, h, r, b1, W2)


def _k5_body(acc_ref, h_ref, r_ref, b_ref, wd_ref, bd_ref, wo_ref, bo_ref,
             o_ref):
    agg = (acc_ref[0] + acc_ref[1] + h_ref[...]) * r_ref[...]
    x3 = _swish(agg + b_ref[...])
    g = _swish(jnp.dot(x3, wd_ref[...],
                       preferred_element_type=jnp.float32) + bd_ref[...])
    o_ref[...] = jax.nn.sigmoid(
        jnp.dot(g, wo_ref[...], preferred_element_type=jnp.float32)
        + bo_ref[...])


def _tc_head(acc, h, r, b2, Wd, bd, Wo, bo):
    return pl.pallas_call(
        _k5_body,
        grid=(GRID,),
        in_specs=[
            pl.BlockSpec((2, BLK, D), lambda i: (0, i, 0)),
            pl.BlockSpec((BLK, D), lambda i: (i, 0)),
            pl.BlockSpec((BLK, 1), lambda i: (i, 0)),
            pl.BlockSpec((1, D), lambda i: (0, 0)),
            pl.BlockSpec((D, 100), lambda i: (0, 0)),
            pl.BlockSpec((1, 100), lambda i: (0, 0)),
            pl.BlockSpec((100, 1), lambda i: (0, 0)),
            pl.BlockSpec((1, 1), lambda i: (0, 0)),
        ],
        out_specs=pl.BlockSpec((BLK, 1), lambda i: (i, 0)),
        out_shape=jax.ShapeDtypeStruct((NP, 1), jnp.float32),
    )(acc, h, r, b2, Wd, bd, Wo, bo)



def kernel(x, edge_index, W1, b1, W2, b2, Wd, bd, Wo, bo):
    x_pad = jnp.zeros((NP, D), jnp.float32).at[:N].set(x)
    pad_idx = N + (jnp.arange(EPAD, dtype=jnp.int32) % (NP - N))
    ei3 = jnp.concatenate(
        [edge_index, jnp.stack([pad_idx, pad_idx])], axis=1
    ).reshape(2, NCH, C)
    ones_hbm = jnp.ones((C,), jnp.float32)
    zd_hbm = jnp.zeros((ROWS_PER_TILE,), jnp.float32)
    z_hbm = jnp.zeros((ROWS_PER_TILE, D), jnp.float32)

    deg2 = _sc_deg(ei3, ones_hbm, zd_hbm)
    r = lax.rsqrt(deg2[0] + deg2[1] + 1.0)[:, None]

    h1 = _tc_h1(x_pad, W1, r)
    acc1 = _sc_agg(h1, ei3, z_hbm)
    h2 = _tc_mid(acc1, h1, r, b1.reshape(1, D), W2)
    acc2 = _sc_agg(h2, ei3, z_hbm)
    out = _tc_head(acc2, h2, r, b2.reshape(1, D), Wd, bd.reshape(1, 100),
                   Wo, bo.reshape(1, 1))
    return out[:N]

# --- scband reference (transcript-rebuilt; emitter-appended) ---
"""Pipeline reference for scband-gnnmodel-68341519614046 (READ-ONLY COPY).

The authoritative reference and input builder live on the scoring server;
editing this copy changes nothing except your own understanding.
"""

import jax, jax.numpy as jnp
import numpy as np

N = 10000
E = 320000
D = 128
F1 = 128
F2 = 128


def swish(x):
    return x * jax.nn.sigmoid(x)


def gcn_layer(x, src, dst, W, b):
    # Spektral-style GCNConv: out = A_hat @ (X @ W) + b, symmetric normalization
    n = x.shape[0]
    deg = jnp.zeros((n,), x.dtype).at[dst].add(1.0)
    norm = jax.lax.rsqrt(deg[src]) * jax.lax.rsqrt(deg[dst])
    h = x @ W
    msg = h[src] * norm[:, None]
    agg = jnp.zeros((n, h.shape[1]), h.dtype).at[dst].add(msg)
    return swish(agg + b)


def setup_inputs(seed: int = 0) -> dict:
    key = jax.random.key(seed)
    ks = jax.random.split(key, 12)
    x = jax.random.normal(ks[0], (N, D), dtype=jnp.float32)
    edge_index = jax.random.randint(ks[1], (2, E), 0, N, dtype=jnp.int32)
    W1 = jax.random.normal(ks[2], (D, F1), dtype=jnp.float32) * (1.0 / np.sqrt(D))
    b1 = jnp.zeros((F1,), dtype=jnp.float32)
    W2 = jax.random.normal(ks[3], (F1, F2), dtype=jnp.float32) * (1.0 / np.sqrt(F1))
    b2 = jnp.zeros((F2,), dtype=jnp.float32)
    Wd = jax.random.normal(ks[4], (F2, 100), dtype=jnp.float32) * (1.0 / np.sqrt(F2))
    bd = jnp.zeros((100,), dtype=jnp.float32)
    Wo = jax.random.normal(ks[5], (100, 1), dtype=jnp.float32) * (1.0 / np.sqrt(100))
    bo = jnp.zeros((1,), dtype=jnp.float32)
    return {"x": x, "edge_index": edge_index, "W1": W1, "b1": b1, "W2": W2, "b2": b2, "Wd": Wd, "bd": bd, "Wo": Wo, "bo": bo}


def reference(x, edge_index, W1, b1, W2, b2, Wd, bd, Wo, bo):
    n = x.shape[0]
    loop = jnp.arange(n, dtype=edge_index.dtype)
    src = jnp.concatenate([edge_index[0], loop])  # add self-loops (A_hat = A + I)
    dst = jnp.concatenate([edge_index[1], loop])
    h = gcn_layer(x, src, dst, W1, b1)
    h = gcn_layer(h, src, dst, W2, b2)
    h = swish(h @ Wd + bd)
    out = jax.nn.sigmoid(h @ Wo + bo)
    return out

if __name__ == "__main__":
    import jax
    _d = setup_inputs()
    print(jax.jit(kernel)(*tuple(_d.values())))

</pallas_src>

<mosaic_0001>
#map = affine_map<(d0, d1) -> (0, 0)>
#map1 = affine_map<(d0, d1) -> (0, 0, 0)>
module attributes {stable_mosaic.version = 14 : i64} {
  func.func @_agg_body(%arg0: i32, %arg1: i32, %arg2: memref<10240x128xf32, #tpu.memory_space<hbm>>, %arg3: memref<2x2560x128xi32, #tpu.memory_space<hbm>>, %arg4: memref<640x128xf32, #tpu.memory_space<hbm>>, %arg5: memref<2x10240x128xf32, #tpu.memory_space<hbm>>, %arg6: memref<40x128xi32, #tpu.memory_space<vmem>>, %arg7: memref<40x128xi32, #tpu.memory_space<vmem>>, %arg8: memref<2x128x128xf32, #tpu.memory_space<vmem>>, %arg9: memref<10240x128xf32, #tpu.memory_space<vmem_shared>>, %arg10: memref<2x!tpu.dma_semaphore, #tpu.memory_space<semaphore_mem>>, %arg11: memref<2x!tpu.dma_semaphore, #tpu.memory_space<semaphore_mem>>) attributes {dimension_semantics = [#tpu.dimension_semantics<core_parallel>, #tpu.dimension_semantics<subcore_parallel>], iteration_bounds = array<i64: 2, 16>, scalar_prefetch = 0 : i64, scratch_operands = 6 : i64, tpu.core_type = #tpu.core_type<sc_vector_subcore>, window_params = [{transform_indices = #map}, {transform_indices = #map1}, {transform_indices = #map}, {transform_indices = #map1}]} {
    %mul3A = arith.constant 2 : i32
    %mul3A_0 = arith.muli %arg1, %mul3A : i32
    %add3A = arith.addi %mul3A_0, %arg0 : i32
    %mul3A_1 = arith.constant 80 : i32
    %mul3A_2 = arith.muli %add3A, %mul3A_1 : i32
    %mul3A_3 = arith.constant 640 : i32
    %mul3A_4 = arith.muli %arg1, %mul3A_3 : i32
    "tpu.region"() ({
      %run_scoped3A_89 = tpu.sem_alloc : memref<!tpu.dma_semaphore, #tpu.memory_space<semaphore_mem>>
      %dma_start3A_90 = arith.constant 0 : i32
      %dma_start3A_91 = tpu.memref_slice %arg9[%mul3A_4, %dma_start3A_90] : memref<10240x128xf32, #tpu.memory_space<vmem_shared>> -> memref<640x128xf32, #tpu.memory_space<vmem_shared>>
      tpu.enqueue_dma source(%arg4 : memref<640x128xf32, #tpu.memory_space<hbm>>) target(%dma_start3A_91 : memref<640x128xf32, #tpu.memory_space<vmem_shared>>) target_semaphore(%run_scoped3A_89 : memref<!tpu.dma_semaphore, #tpu.memory_space<semaphore_mem>>)
      %dma_wait3A = arith.constant 0 : i32
      %dma_wait3A_92 = tpu.memref_slice %arg9[%mul3A_4, %dma_wait3A] : memref<10240x128xf32, #tpu.memory_space<vmem_shared>> -> memref<640x128xf32, #tpu.memory_space<vmem_shared>>
      tpu.wait_dma2 semaphore(%run_scoped3A_89 : memref<!tpu.dma_semaphore, #tpu.memory_space<semaphore_mem>>) src(%arg4 : memref<640x128xf32, #tpu.memory_space<hbm>>) dst(%dma_wait3A_92 : memref<640x128xf32, #tpu.memory_space<vmem_shared>>)
      tpu.yield
    }) : () -> ()
    %barrier3A = arith.constant 0 : index
    tpu.barrier barrier_id(%barrier3A)
    %add3A_5 = arith.constant 0 : i32
    %add3A_6 = arith.addi %mul3A_2, %add3A_5 : i32
    %run_scoped3A = arith.constant 0 : i32
    "tpu.region"() ({
      %run_scoped3A_89 = tpu.sem_alloc : memref<!tpu.dma_semaphore, #tpu.memory_space<semaphore_mem>>
      %dma_start3A_90 = arith.constant 0 : i32
      %dma_start3A_91 = tpu.memref_slice %arg3[%run_scoped3A, %add3A_6, %dma_start3A_90] : memref<2x2560x128xi32, #tpu.memory_space<hbm>> -> memref<1x40x128xi32, #tpu.memory_space<hbm>>
      %dma_start3A_92 = tpu.memref_squeeze %dma_start3A_91 : memref<1x40x128xi32, #tpu.memory_space<hbm>> -> memref<40x128xi32, #tpu.memory_space<hbm>>
      %dma_start3A_93 = arith.constant 0 : i32
      %dma_start3A_94 = tpu.memref_slice %arg3[%run_scoped3A, %add3A_6, %dma_start3A_93] : memref<2x2560x128xi32, #tpu.memory_space<hbm>> -> memref<1x40x128xi32, #tpu.memory_space<hbm>>
      %dma_start3A_95 = tpu.memref_squeeze %dma_start3A_94 : memref<1x40x128xi32, #tpu.memory_space<hbm>> -> memref<40x128xi32, #tpu.memory_space<hbm>>
      tpu.enqueue_dma source(%dma_start3A_95 : memref<40x128xi32, #tpu.memory_space<hbm>>) target(%arg6 : memref<40x128xi32, #tpu.memory_space<vmem>>) target_semaphore(%run_scoped3A_89 : memref<!tpu.dma_semaphore, #tpu.memory_space<semaphore_mem>>)
      %dma_wait3A = arith.constant 0 : i32
      %dma_wait3A_96 = tpu.memref_slice %arg3[%run_scoped3A, %add3A_6, %dma_wait3A] : memref<2x2560x128xi32, #tpu.memory_space<hbm>> -> memref<1x40x128xi32, #tpu.memory_space<hbm>>
      %dma_wait3A_97 = tpu.memref_squeeze %dma_wait3A_96 : memref<1x40x128xi32, #tpu.memory_space<hbm>> -> memref<40x128xi32, #tpu.memory_space<hbm>>
      %dma_wait3A_98 = arith.constant 0 : i32
      %dma_wait3A_99 = tpu.memref_slice %arg3[%run_scoped3A, %add3A_6, %dma_wait3A_98] : memref<2x2560x128xi32, #tpu.memory_space<hbm>> -> memref<1x40x128xi32, #tpu.memory_space<hbm>>
      %dma_wait3A_100 = tpu.memref_squeeze %dma_wait3A_99 : memref<1x40x128xi32, #tpu.memory_space<hbm>> -> memref<40x128xi32, #tpu.memory_space<hbm>>
      tpu.wait_dma2 semaphore(%run_scoped3A_89 : memref<!tpu.dma_semaphore, #tpu.memory_space<semaphore_mem>>) src(%dma_wait3A_100 : memref<40x128xi32, #tpu.memory_space<hbm>>) dst(%arg6 : memref<40x128xi32, #tpu.memory_space<vmem>>)
      tpu.yield
    }) : () -> ()
    %add3A_7 = arith.constant 0 : i32
    %add3A_8 = arith.addi %mul3A_2, %add3A_7 : i32
    %run_scoped3A_9 = arith.constant 1 : i32
    "tpu.region"() ({
      %run_scoped3A_89 = tpu.sem_alloc : memref<!tpu.dma_semaphore, #tpu.memory_space<semaphore_mem>>
      %dma_start3A_90 = arith.constant 0 : i32
      %dma_start3A_91 = tpu.memref_slice %arg3[%run_scoped3A_9, %add3A_8, %dma_start3A_90] : memref<2x2560x128xi32, #tpu.memory_space<hbm>> -> memref<1x40x128xi32, #tpu.memory_space<hbm>>
      %dma_start3A_92 = tpu.memref_squeeze %dma_start3A_91 : memref<1x40x128xi32, #tpu.memory_space<hbm>> -> memref<40x128xi32, #tpu.memory_space<hbm>>
      %dma_start3A_93 = arith.constant 0 : i32
      %dma_start3A_94 = tpu.memref_slice %arg3[%run_scoped3A_9, %add3A_8, %dma_start3A_93] : memref<2x2560x128xi32, #tpu.memory_space<hbm>> -> memref<1x40x128xi32, #tpu.memory_space<hbm>>
      %dma_start3A_95 = tpu.memref_squeeze %dma_start3A_94 : memref<1x40x128xi32, #tpu.memory_space<hbm>> -> memref<40x128xi32, #tpu.memory_space<hbm>>
      tpu.enqueue_dma source(%dma_start3A_95 : memref<40x128xi32, #tpu.memory_space<hbm>>) target(%arg7 : memref<40x128xi32, #tpu.memory_space<vmem>>) target_semaphore(%run_scoped3A_89 : memref<!tpu.dma_semaphore, #tpu.memory_space<semaphore_mem>>)
      %dma_wait3A = arith.constant 0 : i32
      %dma_wait3A_96 = tpu.memref_slice %arg3[%run_scoped3A_9, %add3A_8, %dma_wait3A] : memref<2x2560x128xi32, #tpu.memory_space<hbm>> -> memref<1x40x128xi32, #tpu.memory_space<hbm>>
      %dma_wait3A_97 = tpu.memref_squeeze %dma_wait3A_96 : memref<1x40x128xi32, #tpu.memory_space<hbm>> -> memref<40x128xi32, #tpu.memory_space<hbm>>
      %dma_wait3A_98 = arith.constant 0 : i32
      %dma_wait3A_99 = tpu.memref_slice %arg3[%run_scoped3A_9, %add3A_8, %dma_wait3A_98] : memref<2x2560x128xi32, #tpu.memory_space<hbm>> -> memref<1x40x128xi32, #tpu.memory_space<hbm>>
      %dma_wait3A_100 = tpu.memref_squeeze %dma_wait3A_99 : memref<1x40x128xi32, #tpu.memory_space<hbm>> -> memref<40x128xi32, #tpu.memory_space<hbm>>
      tpu.wait_dma2 semaphore(%run_scoped3A_89 : memref<!tpu.dma_semaphore, #tpu.memory_space<semaphore_mem>>) src(%dma_wait3A_100 : memref<40x128xi32, #tpu.memory_space<hbm>>) dst(%arg7 : memref<40x128xi32, #tpu.memory_space<vmem>>)
      tpu.yield
    }) : () -> ()
    %dma_start3A = arith.constant 0 : i32
    %dma_start3A_10 = arith.constant 0 : i32
    %dma_start3A_11 = arith.constant 0 : i32
    %dma_start3A_12 = arith.constant 0 : i32
    %dma_start3A_13 = arith.constant 0 : i32
    %dma_start3A_14 = tpu.memref_slice %arg8[%dma_start3A_10, %dma_start3A_12, %dma_start3A_13] : memref<2x128x128xf32, #tpu.memory_space<vmem>> -> memref<1x128x128xf32, #tpu.memory_space<vmem>>
    %dma_start3A_15 = tpu.memref_squeeze %dma_start3A_14 : memref<1x128x128xf32, #tpu.memory_space<vmem>> -> memref<128x128xf32, #tpu.memory_space<vmem>>
    %dma_start3A_16 = arith.constant 0 : i32
    %dma_start3A_17 = tpu.memref_slice %arg6[%dma_start3A, %dma_start3A_16] : memref<40x128xi32, #tpu.memory_space<vmem>> -> memref<1x128xi32, #tpu.memory_space<vmem>>
    %dma_start3A_18 = tpu.memref_squeeze %dma_start3A_17 : memref<1x128xi32, #tpu.memory_space<vmem>> -> memref<128xi32, #tpu.memory_space<vmem>>
    %dma_start3A_19 = arith.constant 0 : i32
    %dma_start3A_20 = arith.constant 0 : i32
    %dma_start3A_21 = tpu.memref_slice %arg2[%dma_start3A_19, %dma_start3A_20] : memref<10240x128xf32, #tpu.memory_space<hbm>> -> memref<10240x128xf32, #tpu.memory_space<hbm>>
    %dma_start3A_22 = tpu.memref_slice %arg10[%dma_start3A_11] : memref<2x!tpu.dma_semaphore, #tpu.memory_space<semaphore_mem>> -> memref<1x!tpu.dma_semaphore, #tpu.memory_space<semaphore_mem>>
    %dma_start3A_23 = tpu.memref_squeeze %dma_start3A_22 : memref<1x!tpu.dma_semaphore, #tpu.memory_space<semaphore_mem>> -> memref<!tpu.dma_semaphore, #tpu.memory_space<semaphore_mem>>
    tpu.enqueue_indirect_dma source(%dma_start3A_21 : memref<10240x128xf32, #tpu.memory_space<hbm>>) target(%dma_start3A_15 : memref<128x128xf32, #tpu.memory_space<vmem>>) offsets(%dma_start3A_18 : memref<128xi32, #tpu.memory_space<vmem>>) semaphore(%dma_start3A_23 : memref<!tpu.dma_semaphore, #tpu.memory_space<semaphore_mem>>)
    %dma_start3A_24 = arith.constant 1 : i32
    %dma_start3A_25 = arith.constant 1 : i32
    %dma_start3A_26 = arith.constant 1 : i32
    %dma_start3A_27 = arith.constant 0 : i32
    %dma_start3A_28 = arith.constant 0 : i32
    %dma_start3A_29 = tpu.memref_slice %arg8[%dma_start3A_25, %dma_start3A_27, %dma_start3A_28] : memref<2x128x128xf32, #tpu.memory_space<vmem>> -> memref<1x128x128xf32, #tpu.memory_space<vmem>>
    %dma_start3A_30 = tpu.memref_squeeze %dma_start3A_29 : memref<1x128x128xf32, #tpu.memory_space<vmem>> -> memref<128x128xf32, #tpu.memory_space<vmem>>
    %dma_start3A_31 = arith.constant 0 : i32
    %dma_start3A_32 = tpu.memref_slice %arg6[%dma_start3A_24, %dma_start3A_31] : memref<40x128xi32, #tpu.memory_space<vmem>> -> memref<1x128xi32, #tpu.memory_space<vmem>>
    %dma_start3A_33 = tpu.memref_squeeze %dma_start3A_32 : memref<1x128xi32, #tpu.memory_space<vmem>> -> memref<128xi32, #tpu.memory_space<vmem>>
    %dma_start3A_34 = arith.constant 0 : i32
    %dma_start3A_35 = arith.constant 0 : i32
    %dma_start3A_36 = tpu.memref_slice %arg2[%dma_start3A_34, %dma_start3A_35] : memref<10240x128xf32, #tpu.memory_space<hbm>> -> memref<10240x128xf32, #tpu.memory_space<hbm>>
    %dma_start3A_37 = tpu.memref_slice %arg10[%dma_start3A_26] : memref<2x!tpu.dma_semaphore, #tpu.memory_space<semaphore_mem>> -> memref<1x!tpu.dma_semaphore, #tpu.memory_space<semaphore_mem>>
    %dma_start3A_38 = tpu.memref_squeeze %dma_start3A_37 : memref<1x!tpu.dma_semaphore, #tpu.memory_space<semaphore_mem>> -> memref<!tpu.dma_semaphore, #tpu.memory_space<semaphore_mem>>
    tpu.enqueue_indirect_dma source(%dma_start3A_36 : memref<10240x128xf32, #tpu.memory_space<hbm>>) target(%dma_start3A_30 : memref<128x128xf32, #tpu.memory_space<vmem>>) offsets(%dma_start3A_33 : memref<128xi32, #tpu.memory_space<vmem>>) semaphore(%dma_start3A_38 : memref<!tpu.dma_semaphore, #tpu.memory_space<semaphore_mem>>)
    %scan3A = arith.constant 0 : i32
    %scan3A_39 = arith.constant 0 : i32
    %scan3A_40 = arith.constant 20 : i32
    %scan3A_41 = arith.addi %scan3A_39, %scan3A_40 : i32
    %scan3A_42 = arith.constant 1 : i32
    scf.for %scan3A_89 = %scan3A_39 to %scan3A_41 step %scan3A_42  : i32 {
      %mul3A_90 = arith.constant 2 : i32
      %mul3A_91 = arith.muli %scan3A_89, %mul3A_90 : i32
      %add3A_92 = arith.constant 0 : i32
      %add3A_93 = arith.addi %mul3A_91, %add3A_92 : i32
      %dma_wait3A = arith.constant 0 : i32
      %dma_wait3A_94 = arith.constant 0 : i32
      %dma_wait3A_95 = arith.constant 0 : i32
      %dma_wait3A_96 = arith.constant 0 : i32
      %dma_wait3A_97 = tpu.memref_slice %arg8[%dma_wait3A, %dma_wait3A_95, %dma_wait3A_96] : memref<2x128x128xf32, #tpu.memory_space<vmem>> -> memref<1x128x128xf32, #tpu.memory_space<vmem>>
      %dma_wait3A_98 = tpu.memref_squeeze %dma_wait3A_97 : memref<1x128x128xf32, #tpu.memory_space<vmem>> -> memref<128x128xf32, #tpu.memory_space<vmem>>
      %dma_wait3A_99 = arith.constant 0 : i32
      %dma_wait3A_100 = tpu.memref_slice %arg6[%add3A_93, %dma_wait3A_99] : memref<40x128xi32, #tpu.memory_space<vmem>> -> memref<1x128xi32, #tpu.memory_space<vmem>>
      %dma_wait3A_101 = tpu.memref_squeeze %dma_wait3A_100 : memref<1x128xi32, #tpu.memory_space<vmem>> -> memref<128xi32, #tpu.memory_space<vmem>>
      %dma_wait3A_102 = arith.constant 0 : i32
      %dma_wait3A_103 = arith.constant 0 : i32
      %dma_wait3A_104 = tpu.memref_slice %arg2[%dma_wait3A_102, %dma_wait3A_103] : memref<10240x128xf32, #tpu.memory_space<hbm>> -> memref<10240x128xf32, #tpu.memory_space<hbm>>
      %dma_wait3A_105 = tpu.memref_slice %arg10[%dma_wait3A_94] : memref<2x!tpu.dma_semaphore, #tpu.memory_space<semaphore_mem>> -> memref<1x!tpu.dma_semaphore, #tpu.memory_space<semaphore_mem>>
      %dma_wait3A_106 = tpu.memref_squeeze %dma_wait3A_105 : memref<1x!tpu.dma_semaphore, #tpu.memory_space<semaphore_mem>> -> memref<!tpu.dma_semaphore, #tpu.memory_space<semaphore_mem>>
      tpu.wait_indirect_dma semaphore(%dma_wait3A_106 : memref<!tpu.dma_semaphore, #tpu.memory_space<semaphore_mem>>) src(%dma_wait3A_104 : memref<10240x128xf32, #tpu.memory_space<hbm>>) dst(%dma_wait3A_98 : memref<128x128xf32, #tpu.memory_space<vmem>>)
      %mul3A_107 = arith.constant 2 : i32
      %mul3A_108 = arith.muli %scan3A_89, %mul3A_107 : i32
      %add3A_109 = arith.constant 1 : i32
      %add3A_110 = arith.addi %mul3A_108, %add3A_109 : i32
      %dma_wait3A_111 = arith.constant 1 : i32
      %dma_wait3A_112 = arith.constant 1 : i32
      %dma_wait3A_113 = arith.constant 0 : i32
      %dma_wait3A_114 = arith.constant 0 : i32
      %dma_wait3A_115 = tpu.memref_slice %arg8[%dma_wait3A_111, %dma_wait3A_113, %dma_wait3A_114] : memref<2x128x128xf32, #tpu.memory_space<vmem>> -> memref<1x128x128xf32, #tpu.memory_space<vmem>>
      %dma_wait3A_116 = tpu.memref_squeeze %dma_wait3A_115 : memref<1x128x128xf32, #tpu.memory_space<vmem>> -> memref<128x128xf32, #tpu.memory_space<vmem>>
      %dma_wait3A_117 = arith.constant 0 : i32
      %dma_wait3A_118 = tpu.memref_slice %arg6[%add3A_110, %dma_wait3A_117] : memref<40x128xi32, #tpu.memory_space<vmem>> -> memref<1x128xi32, #tpu.memory_space<vmem>>
      %dma_wait3A_119 = tpu.memref_squeeze %dma_wait3A_118 : memref<1x128xi32, #tpu.memory_space<vmem>> -> memref<128xi32, #tpu.memory_space<vmem>>
      %dma_wait3A_120 = arith.constant 0 : i32
      %dma_wait3A_121 = arith.constant 0 : i32
      %dma_wait3A_122 = tpu.memref_slice %arg2[%dma_wait3A_120, %dma_wait3A_121] : memref<10240x128xf32, #tpu.memory_space<hbm>> -> memref<10240x128xf32, #tpu.memory_space<hbm>>
      %dma_wait3A_123 = tpu.memref_slice %arg10[%dma_wait3A_112] : memref<2x!tpu.dma_semaphore, #tpu.memory_space<semaphore_mem>> -> memref<1x!tpu.dma_semaphore, #tpu.memory_space<semaphore_mem>>
      %dma_wait3A_124 = tpu.memref_squeeze %dma_wait3A_123 : memref<1x!tpu.dma_semaphore, #tpu.memory_space<semaphore_mem>> -> memref<!tpu.dma_semaphore, #tpu.memory_space<semaphore_mem>>
      tpu.wait_indirect_dma semaphore(%dma_wait3A_124 : memref<!tpu.dma_semaphore, #tpu.memory_space<semaphore_mem>>) src(%dma_wait3A_122 : memref<10240x128xf32, #tpu.memory_space<hbm>>) dst(%dma_wait3A_116 : memref<128x128xf32, #tpu.memory_space<vmem>>)
      %mul3A_125 = arith.constant 2 : i32
      %mul3A_126 = arith.muli %scan3A_89, %mul3A_125 : i32
      %add3A_127 = arith.constant 0 : i32
      %add3A_128 = arith.addi %mul3A_126, %add3A_127 : i32
      %add3A_129 = arith.constant 2 : i32
      %add3A_130 = arith.addi %add3A_128, %add3A_129 : i32
      %lt3A = arith.constant 40 : i32
      %lt3A_131 = arith.cmpi slt, %add3A_130, %lt3A : i32
      %convert_element_type3A = arith.extui %lt3A_131 : i1 to i32
      %cond3A = arith.constant 0 : i32
      %cond3A_132 = arith.cmpi ne, %convert_element_type3A, %cond3A : i32
      scf.if %cond3A_132 {
        %add3A_144 = arith.constant 2 : i32
        %add3A_145 = arith.addi %add3A_128, %add3A_144 : i32
        %dma_start3A_146 = arith.constant 0 : i32
        %dma_start3A_147 = arith.constant 0 : i32
        %dma_start3A_148 = arith.constant 0 : i32
        %dma_start3A_149 = arith.constant 0 : i32
        %dma_start3A_150 = tpu.memref_slice %arg8[%dma_start3A_146, %dma_start3A_148, %dma_start3A_149] : memref<2x128x128xf32, #tpu.memory_space<vmem>> -> memref<1x128x128xf32, #tpu.memory_space<vmem>>
        %dma_start3A_151 = tpu.memref_squeeze %dma_start3A_150 : memref<1x128x128xf32, #tpu.memory_space<vmem>> -> memref<128x128xf32, #tpu.memory_space<vmem>>
        %dma_start3A_152 = arith.constant 0 : i32
        %dma_start3A_153 = tpu.memref_slice %arg6[%add3A_145, %dma_start3A_152] : memref<40x128xi32, #tpu.memory_space<vmem>> -> memref<1x128xi32, #tpu.memory_space<vmem>>
        %dma_start3A_154 = tpu.memref_squeeze %dma_start3A_153 : memref<1x128xi32, #tpu.memory_space<vmem>> -> memref<128xi32, #tpu.memory_space<vmem>>
        %dma_start3A_155 = arith.constant 0 : i32
        %dma_start3A_156 = arith.constant 0 : i32
        %dma_start3A_157 = tpu.memref_slice %arg2[%dma_start3A_155, %dma_start3A_156] : memref<10240x128xf32, #tpu.memory_space<hbm>> -> memref<10240x128xf32, #tpu.memory_space<hbm>>
        %dma_start3A_158 = tpu.memref_slice %arg10[%dma_start3A_147] : memref<2x!tpu.dma_semaphore, #tpu.memory_space<semaphore_mem>> -> memref<1x!tpu.dma_semaphore, #tpu.memory_space<semaphore_mem>>
        %dma_start3A_159 = tpu.memref_squeeze %dma_start3A_158 : memref<1x!tpu.dma_semaphore, #tpu.memory_space<semaphore_mem>> -> memref<!tpu.dma_semaphore, #tpu.memory_space<semaphore_mem>>
        tpu.enqueue_indirect_dma source(%dma_start3A_157 : memref<10240x128xf32, #tpu.memory_space<hbm>>) target(%dma_start3A_151 : memref<128x128xf32, #tpu.memory_space<vmem>>) offsets(%dma_start3A_154 : memref<128xi32, #tpu.memory_space<vmem>>) semaphore(%dma_start3A_159 : memref<!tpu.dma_semaphore, #tpu.memory_space<semaphore_mem>>)
      } else {
      }
      %mul3A_133 = arith.constant 2 : i32
      %mul3A_134 = arith.muli %scan3A_89, %mul3A_133 : i32
      %add3A_135 = arith.constant 1 : i32
      %add3A_136 = arith.addi %mul3A_134, %add3A_135 : i32
      %add3A_137 = arith.constant 2 : i32
      %add3A_138 = arith.addi %add3A_136, %add3A_137 : i32
      %lt3A_139 = arith.constant 40 : i32
      %lt3A_140 = arith.cmpi slt, %add3A_138, %lt3A_139 : i32
      %convert_element_type3A_141 = arith.extui %lt3A_140 : i1 to i32
      %cond3A_142 = arith.constant 0 : i32
      %cond3A_143 = arith.cmpi ne, %convert_element_type3A_141, %cond3A_142 : i32
      scf.if %cond3A_143 {
        %add3A_144 = arith.constant 2 : i32
        %add3A_145 = arith.addi %add3A_136, %add3A_144 : i32
        %dma_start3A_146 = arith.constant 1 : i32
        %dma_start3A_147 = arith.constant 1 : i32
        %dma_start3A_148 = arith.constant 0 : i32
        %dma_start3A_149 = arith.constant 0 : i32
        %dma_start3A_150 = tpu.memref_slice %arg8[%dma_start3A_146, %dma_start3A_148, %dma_start3A_149] : memref<2x128x128xf32, #tpu.memory_space<vmem>> -> memref<1x128x128xf32, #tpu.memory_space<vmem>>
        %dma_start3A_151 = tpu.memref_squeeze %dma_start3A_150 : memref<1x128x128xf32, #tpu.memory_space<vmem>> -> memref<128x128xf32, #tpu.memory_space<vmem>>
        %dma_start3A_152 = arith.constant 0 : i32
        %dma_start3A_153 = tpu.memref_slice %arg6[%add3A_145, %dma_start3A_152] : memref<40x128xi32, #tpu.memory_space<vmem>> -> memref<1x128xi32, #tpu.memory_space<vmem>>
        %dma_start3A_154 = tpu.memref_squeeze %dma_start3A_153 : memref<1x128xi32, #tpu.memory_space<vmem>> -> memref<128xi32, #tpu.memory_space<vmem>>
        %dma_start3A_155 = arith.constant 0 : i32
        %dma_start3A_156 = arith.constant 0 : i32
        %dma_start3A_157 = tpu.memref_slice %arg2[%dma_start3A_155, %dma_start3A_156] : memref<10240x128xf32, #tpu.memory_space<hbm>> -> memref<10240x128xf32, #tpu.memory_space<hbm>>
        %dma_start3A_158 = tpu.memref_slice %arg10[%dma_start3A_147] : memref<2x!tpu.dma_semaphore, #tpu.memory_space<semaphore_mem>> -> memref<1x!tpu.dma_semaphore, #tpu.memory_space<semaphore_mem>>
        %dma_start3A_159 = tpu.memref_squeeze %dma_start3A_158 : memref<1x!tpu.dma_semaphore, #tpu.memory_space<semaphore_mem>> -> memref<!tpu.dma_semaphore, #tpu.memory_space<semaphore_mem>>
        tpu.enqueue_indirect_dma source(%dma_start3A_157 : memref<10240x128xf32, #tpu.memory_space<hbm>>) target(%dma_start3A_151 : memref<128x128xf32, #tpu.memory_space<vmem>>) offsets(%dma_start3A_154 : memref<128xi32, #tpu.memory_space<vmem>>) semaphore(%dma_start3A_159 : memref<!tpu.dma_semaphore, #tpu.memory_space<semaphore_mem>>)
      } else {
      }
    }
    %scan3A_43 = arith.constant 20 : i32
    %add3A_44 = arith.constant 40 : i32
    %add3A_45 = arith.addi %mul3A_2, %add3A_44 : i32
    %run_scoped3A_46 = arith.constant 0 : i32
    "tpu.region"() ({
      %run_scoped3A_89 = tpu.sem_alloc : memref<!tpu.dma_semaphore, #tpu.memory_space<semaphore_mem>>
      %dma_start3A_90 = arith.constant 0 : i32
      %dma_start3A_91 = tpu.memref_slice %arg3[%run_scoped3A_46, %add3A_45, %dma_start3A_90] : memref<2x2560x128xi32, #tpu.memory_space<hbm>> -> memref<1x40x128xi32, #tpu.memory_space<hbm>>
      %dma_start3A_92 = tpu.memref_squeeze %dma_start3A_91 : memref<1x40x128xi32, #tpu.memory_space<hbm>> -> memref<40x128xi32, #tpu.memory_space<hbm>>
      %dma_start3A_93 = arith.constant 0 : i32
      %dma_start3A_94 = tpu.memref_slice %arg3[%run_scoped3A_46, %add3A_45, %dma_start3A_93] : memref<2x2560x128xi32, #tpu.memory_space<hbm>> -> memref<1x40x128xi32, #tpu.memory_space<hbm>>
      %dma_start3A_95 = tpu.memref_squeeze %dma_start3A_94 : memref<1x40x128xi32, #tpu.memory_space<hbm>> -> memref<40x128xi32, #tpu.memory_space<hbm>>
      tpu.enqueue_dma source(%dma_start3A_95 : memref<40x128xi32, #tpu.memory_space<hbm>>) target(%arg6 : memref<40x128xi32, #tpu.memory_space<vmem>>) target_semaphore(%run_scoped3A_89 : memref<!tpu.dma_semaphore, #tpu.memory_space<semaphore_mem>>)
      %dma_wait3A = arith.constant 0 : i32
      %dma_wait3A_96 = tpu.memref_slice %arg3[%run_scoped3A_46, %add3A_45, %dma_wait3A] : memref<2x2560x128xi32, #tpu.memory_space<hbm>> -> memref<1x40x128xi32, #tpu.memory_space<hbm>>
      %dma_wait3A_97 = tpu.memref_squeeze %dma_wait3A_96 : memref<1x40x128xi32, #tpu.memory_space<hbm>> -> memref<40x128xi32, #tpu.memory_space<hbm>>
      %dma_wait3A_98 = arith.constant 0 : i32
      %dma_wait3A_99 = tpu.memref_slice %arg3[%run_scoped3A_46, %add3A_45, %dma_wait3A_98] : memref<2x2560x128xi32, #tpu.memory_space<hbm>> -> memref<1x40x128xi32, #tpu.memory_space<hbm>>
      %dma_wait3A_100 = tpu.memref_squeeze %dma_wait3A_99 : memref<1x40x128xi32, #tpu.memory_space<hbm>> -> memref<40x128xi32, #tpu.memory_space<hbm>>
      tpu.wait_dma2 semaphore(%run_scoped3A_89 : memref<!tpu.dma_semaphore, #tpu.memory_space<semaphore_mem>>) src(%dma_wait3A_100 : memref<40x128xi32, #tpu.memory_space<hbm>>) dst(%arg6 : memref<40x128xi32, #tpu.memory_space<vmem>>)
      tpu.yield
    }) : () -> ()
    %add3A_47 = arith.constant 40 : i32
    %add3A_48 = arith.addi %mul3A_2, %add3A_47 : i32
    %run_scoped3A_49 = arith.constant 1 : i32
    "tpu.region"() ({
      %run_scoped3A_89 = tpu.sem_alloc : memref<!tpu.dma_semaphore, #tpu.memory_space<semaphore_mem>>
      %dma_start3A_90 = arith.constant 0 : i32
      %dma_start3A_91 = tpu.memref_slice %arg3[%run_scoped3A_49, %add3A_48, %dma_start3A_90] : memref<2x2560x128xi32, #tpu.memory_space<hbm>> -> memref<1x40x128xi32, #tpu.memory_space<hbm>>
      %dma_start3A_92 = tpu.memref_squeeze %dma_start3A_91 : memref<1x40x128xi32, #tpu.memory_space<hbm>> -> memref<40x128xi32, #tpu.memory_space<hbm>>
      %dma_start3A_93 = arith.constant 0 : i32
      %dma_start3A_94 = tpu.memref_slice %arg3[%run_scoped3A_49, %add3A_48, %dma_start3A_93] : memref<2x2560x128xi32, #tpu.memory_space<hbm>> -> memref<1x40x128xi32, #tpu.memory_space<hbm>>
      %dma_start3A_95 = tpu.memref_squeeze %dma_start3A_94 : memref<1x40x128xi32, #tpu.memory_space<hbm>> -> memref<40x128xi32, #tpu.memory_space<hbm>>
      tpu.enqueue_dma source(%dma_start3A_95 : memref<40x128xi32, #tpu.memory_space<hbm>>) target(%arg7 : memref<40x128xi32, #tpu.memory_space<vmem>>) target_semaphore(%run_scoped3A_89 : memref<!tpu.dma_semaphore, #tpu.memory_space<semaphore_mem>>)
      %dma_wait3A = arith.constant 0 : i32
      %dma_wait3A_96 = tpu.memref_slice %arg3[%run_scoped3A_49, %add3A_48, %dma_wait3A] : memref<2x2560x128xi32, #tpu.memory_space<hbm>> -> memref<1x40x128xi32, #tpu.memory_space<hbm>>
      %dma_wait3A_97 = tpu.memref_squeeze %dma_wait3A_96 : memref<1x40x128xi32, #tpu.memory_space<hbm>> -> memref<40x128xi32, #tpu.memory_space<hbm>>
      %dma_wait3A_98 = arith.constant 0 : i32
      %dma_wait3A_99 = tpu.memref_slice %arg3[%run_scoped3A_49, %add3A_48, %dma_wait3A_98] : memref<2x2560x128xi32, #tpu.memory_space<hbm>> -> memref<1x40x128xi32, #tpu.memory_space<hbm>>
      %dma_wait3A_100 = tpu.memref_squeeze %dma_wait3A_99 : memref<1x40x128xi32, #tpu.memory_space<hbm>> -> memref<40x128xi32, #tpu.memory_space<hbm>>
      tpu.wait_dma2 semaphore(%run_scoped3A_89 : memref<!tpu.dma_semaphore, #tpu.memory_space<semaphore_mem>>) src(%dma_wait3A_100 : memref<40x128xi32, #tpu.memory_space<hbm>>) dst(%arg7 : memref<40x128xi32, #tpu.memory_space<vmem>>)
      tpu.yield
    }) : () -> ()
    %dma_start3A_50 = arith.constant 0 : i32
    %dma_start3A_51 = arith.constant 0 : i32
    %dma_start3A_52 = arith.constant 0 : i32
    %dma_start3A_53 = arith.constant 0 : i32
    %dma_start3A_54 = arith.constant 0 : i32
    %dma_start3A_55 = tpu.memref_slice %arg8[%dma_start3A_51, %dma_start3A_53, %dma_start3A_54] : memref<2x128x128xf32, #tpu.memory_space<vmem>> -> memref<1x128x128xf32, #tpu.memory_space<vmem>>
    %dma_start3A_56 = tpu.memref_squeeze %dma_start3A_55 : memref<1x128x128xf32, #tpu.memory_space<vmem>> -> memref<128x128xf32, #tpu.memory_space<vmem>>
    %dma_start3A_57 = arith.constant 0 : i32
    %dma_start3A_58 = tpu.memref_slice %arg6[%dma_start3A_50, %dma_start3A_57] : memref<40x128xi32, #tpu.memory_space<vmem>> -> memref<1x128xi32, #tpu.memory_space<vmem>>
    %dma_start3A_59 = tpu.memref_squeeze %dma_start3A_58 : memref<1x128xi32, #tpu.memory_space<vmem>> -> memref<128xi32, #tpu.memory_space<vmem>>
    %dma_start3A_60 = arith.constant 0 : i32
    %dma_start3A_61 = arith.constant 0 : i32
    %dma_start3A_62 = tpu.memref_slice %arg2[%dma_start3A_60, %dma_start3A_61] : memref<10240x128xf32, #tpu.memory_space<hbm>> -> memref<10240x128xf32, #tpu.memory_space<hbm>>
    %dma_start3A_63 = tpu.memref_slice %arg10[%dma_start3A_52] : memref<2x!tpu.dma_semaphore, #tpu.memory_space<semaphore_mem>> -> memref<1x!tpu.dma_semaphore, #tpu.memory_space<semaphore_mem>>
    %dma_start3A_64 = tpu.memref_squeeze %dma_start3A_63 : memref<1x!tpu.dma_semaphore, #tpu.memory_space<semaphore_mem>> -> memref<!tpu.dma_semaphore, #tpu.memory_space<semaphore_mem>>
    tpu.enqueue_indirect_dma source(%dma_start3A_62 : memref<10240x128xf32, #tpu.memory_space<hbm>>) target(%dma_start3A_56 : memref<128x128xf32, #tpu.memory_space<vmem>>) offsets(%dma_start3A_59 : memref<128xi32, #tpu.memory_space<vmem>>) semaphore(%dma_start3A_64 : memref<!tpu.dma_semaphore, #tpu.memory_space<semaphore_mem>>)
    %dma_start3A_65 = arith.constant 1 : i32
    %dma_start3A_66 = arith.constant 1 : i32
    %dma_start3A_67 = arith.constant 1 : i32
    %dma_start3A_68 = arith.constant 0 : i32
    %dma_start3A_69 = arith.constant 0 : i32
    %dma_start3A_70 = tpu.memref_slice %arg8[%dma_start3A_66, %dma_start3A_68, %dma_start3A_69] : memref<2x128x128xf32, #tpu.memory_space<vmem>> -> memref<1x128x128xf32, #tpu.memory_space<vmem>>
    %dma_start3A_71 = tpu.memref_squeeze %dma_start3A_70 : memref<1x128x128xf32, #tpu.memory_space<vmem>> -> memref<128x128xf32, #tpu.memory_space<vmem>>
    %dma_start3A_72 = arith.constant 0 : i32
    %dma_start3A_73 = tpu.memref_slice %arg6[%dma_start3A_65, %dma_start3A_72] : memref<40x128xi32, #tpu.memory_space<vmem>> -> memref<1x128xi32, #tpu.memory_space<vmem>>
    %dma_start3A_74 = tpu.memref_squeeze %dma_start3A_73 : memref<1x128xi32, #tpu.memory_space<vmem>> -> memref<128xi32, #tpu.memory_space<vmem>>
    %dma_start3A_75 = arith.constant 0 : i32
    %dma_start3A_76 = arith.constant 0 : i32
    %dma_start3A_77 = tpu.memref_slice %arg2[%dma_start3A_75, %dma_start3A_76] : memref<10240x128xf32, #tpu.memory_space<hbm>> -> memref<10240x128xf32, #tpu.memory_space<hbm>>
    %dma_start3A_78 = tpu.memref_slice %arg10[%dma_start3A_67] : memref<2x!tpu.dma_semaphore, #tpu.memory_space<semaphore_mem>> -> memref<1x!tpu.dma_semaphore, #tpu.memory_space<semaphore_mem>>
    %dma_start3A_79 = tpu.memref_squeeze %dma_start3A_78 : memref<1x!tpu.dma_semaphore, #tpu.memory_space<semaphore_mem>> -> memref<!tpu.dma_semaphore, #tpu.memory_space<semaphore_mem>>
    tpu.enqueue_indirect_dma source(%dma_start3A_77 : memref<10240x128xf32, #tpu.memory_space<hbm>>) target(%dma_start3A_71 : memref<128x128xf32, #tpu.memory_space<vmem>>) offsets(%dma_start3A_74 : memref<128xi32, #tpu.memory_space<vmem>>) semaphore(%dma_start3A_79 : memref<!tpu.dma_semaphore, #tpu.memory_space<semaphore_mem>>)
    %scan3A_80 = arith.constant 0 : i32
    %scan3A_81 = arith.constant 0 : i32
    %scan3A_82 = arith.constant 20 : i32
    %scan3A_83 = arith.addi %scan3A_81, %scan3A_82 : i32
    %scan3A_84 = arith.constant 1 : i32
    scf.for %scan3A_89 = %scan3A_81 to %scan3A_83 step %scan3A_84  : i32 {
      %mul3A_90 = arith.constant 2 : i32
      %mul3A_91 = arith.muli %scan3A_89, %mul3A_90 : i32
      %add3A_92 = arith.constant 0 : i32
      %add3A_93 = arith.addi %mul3A_91, %add3A_92 : i32
      %dma_wait3A = arith.constant 0 : i32
      %dma_wait3A_94 = arith.constant 0 : i32
      %dma_wait3A_95 = arith.constant 0 : i32
      %dma_wait3A_96 = arith.constant 0 : i32
      %dma_wait3A_97 = tpu.memref_slice %arg8[%dma_wait3A, %dma_wait3A_95, %dma_wait3A_96] : memref<2x128x128xf32, #tpu.memory_space<vmem>> -> memref<1x128x128xf32, #tpu.memory_space<vmem>>
      %dma_wait3A_98 = tpu.memref_squeeze %dma_wait3A_97 : memref<1x128x128xf32, #tpu.memory_space<vmem>> -> memref<128x128xf32, #tpu.memory_space<vmem>>
      %dma_wait3A_99 = arith.constant 0 : i32
      %dma_wait3A_100 = tpu.memref_slice %arg6[%add3A_93, %dma_wait3A_99] : memref<40x128xi32, #tpu.memory_space<vmem>> -> memref<1x128xi32, #tpu.memory_space<vmem>>
      %dma_wait3A_101 = tpu.memref_squeeze %dma_wait3A_100 : memref<1x128xi32, #tpu.memory_space<vmem>> -> memref<128xi32, #tpu.memory_space<vmem>>
      %dma_wait3A_102 = arith.constant 0 : i32
      %dma_wait3A_103 = arith.constant 0 : i32
      %dma_wait3A_104 = tpu.memref_slice %arg2[%dma_wait3A_102, %dma_wait3A_103] : memref<10240x128xf32, #tpu.memory_space<hbm>> -> memref<10240x128xf32, #tpu.memory_space<hbm>>
      %dma_wait3A_105 = tpu.memref_slice %arg10[%dma_wait3A_94] : memref<2x!tpu.dma_semaphore, #tpu.memory_space<semaphore_mem>> -> memref<1x!tpu.dma_semaphore, #tpu.memory_space<semaphore_mem>>
      %dma_wait3A_106 = tpu.memref_squeeze %dma_wait3A_105 : memref<1x!tpu.dma_semaphore, #tpu.memory_space<semaphore_mem>> -> memref<!tpu.dma_semaphore, #tpu.memory_space<semaphore_mem>>
      tpu.wait_indirect_dma semaphore(%dma_wait3A_106 : memref<!tpu.dma_semaphore, #tpu.memory_space<semaphore_mem>>) src(%dma_wait3A_104 : memref<10240x128xf32, #tpu.memory_space<hbm>>) dst(%dma_wait3A_98 : memref<128x128xf32, #tpu.memory_space<vmem>>)
      %mul3A_107 = arith.constant 2 : i32
      %mul3A_108 = arith.muli %scan3A_89, %mul3A_107 : i32
      %add3A_109 = arith.constant 1 : i32
      %add3A_110 = arith.addi %mul3A_108, %add3A_109 : i32
      %dma_wait3A_111 = arith.constant 1 : i32
      %dma_wait3A_112 = arith.constant 1 : i32
      %dma_wait3A_113 = arith.constant 0 : i32
      %dma_wait3A_114 = arith.constant 0 : i32
      %dma_wait3A_115 = tpu.memref_slice %arg8[%dma_wait3A_111, %dma_wait3A_113, %dma_wait3A_114] : memref<2x128x128xf32, #tpu.memory_space<vmem>> -> memref<1x128x128xf32, #tpu.memory_space<vmem>>
      %dma_wait3A_116 = tpu.memref_squeeze %dma_wait3A_115 : memref<1x128x128xf32, #tpu.memory_space<vmem>> -> memref<128x128xf32, #tpu.memory_space<vmem>>
      %dma_wait3A_117 = arith.constant 0 : i32
      %dma_wait3A_118 = tpu.memref_slice %arg6[%add3A_110, %dma_wait3A_117] : memref<40x128xi32, #tpu.memory_space<vmem>> -> memref<1x128xi32, #tpu.memory_space<vmem>>
      %dma_wait3A_119 = tpu.memref_squeeze %dma_wait3A_118 : memref<1x128xi32, #tpu.memory_space<vmem>> -> memref<128xi32, #tpu.memory_space<vmem>>
      %dma_wait3A_120 = arith.constant 0 : i32
      %dma_wait3A_121 = arith.constant 0 : i32
      %dma_wait3A_122 = tpu.memref_slice %arg2[%dma_wait3A_120, %dma_wait3A_121] : memref<10240x128xf32, #tpu.memory_space<hbm>> -> memref<10240x128xf32, #tpu.memory_space<hbm>>
      %dma_wait3A_123 = tpu.memref_slice %arg10[%dma_wait3A_112] : memref<2x!tpu.dma_semaphore, #tpu.memory_space<semaphore_mem>> -> memref<1x!tpu.dma_semaphore, #tpu.memory_space<semaphore_mem>>
      %dma_wait3A_124 = tpu.memref_squeeze %dma_wait3A_123 : memref<1x!tpu.dma_semaphore, #tpu.memory_space<semaphore_mem>> -> memref<!tpu.dma_semaphore, #tpu.memory_space<semaphore_mem>>
      tpu.wait_indirect_dma semaphore(%dma_wait3A_124 : memref<!tpu.dma_semaphore, #tpu.memory_space<semaphore_mem>>) src(%dma_wait3A_122 : memref<10240x128xf32, #tpu.memory_space<hbm>>) dst(%dma_wait3A_116 : memref<128x128xf32, #tpu.memory_space<vmem>>)
      %mul3A_125 = arith.constant 2 : i32
      %mul3A_126 = arith.muli %scan3A_89, %mul3A_125 : i32
      %add3A_127 = arith.constant 0 : i32
      %add3A_128 = arith.addi %mul3A_126, %add3A_127 : i32
      %add3A_129 = arith.constant 2 : i32
      %add3A_130 = arith.addi %add3A_128, %add3A_129 : i32
      %lt3A = arith.constant 40 : i32
      %lt3A_131 = arith.cmpi slt, %add3A_130, %lt3A : i32
      %convert_element_type3A = arith.extui %lt3A_131 : i1 to i32
      %cond3A = arith.constant 0 : i32
      %cond3A_132 = arith.cmpi ne, %convert_element_type3A, %cond3A : i32
      scf.if %cond3A_132 {
        %add3A_144 = arith.constant 2 : i32
        %add3A_145 = arith.addi %add3A_128, %add3A_144 : i32
        %dma_start3A_146 = arith.constant 0 : i32
        %dma_start3A_147 = arith.constant 0 : i32
        %dma_start3A_148 = arith.constant 0 : i32
        %dma_start3A_149 = arith.constant 0 : i32
        %dma_start3A_150 = tpu.memref_slice %arg8[%dma_start3A_146, %dma_start3A_148, %dma_start3A_149] : memref<2x128x128xf32, #tpu.memory_space<vmem>> -> memref<1x128x128xf32, #tpu.memory_space<vmem>>
        %dma_start3A_151 = tpu.memref_squeeze %dma_start3A_150 : memref<1x128x128xf32, #tpu.memory_space<vmem>> -> memref<128x128xf32, #tpu.memory_space<vmem>>
        %dma_start3A_152 = arith.constant 0 : i32
        %dma_start3A_153 = tpu.memref_slice %arg6[%add3A_145, %dma_start3A_152] : memref<40x128xi32, #tpu.memory_space<vmem>> -> memref<1x128xi32, #tpu.memory_space<vmem>>
        %dma_start3A_154 = tpu.memref_squeeze %dma_start3A_153 : memref<1x128xi32, #tpu.memory_space<vmem>> -> memref<128xi32, #tpu.memory_space<vmem>>
        %dma_start3A_155 = arith.constant 0 : i32
        %dma_start3A_156 = arith.constant 0 : i32
        %dma_start3A_157 = tpu.memref_slice %arg2[%dma_start3A_155, %dma_start3A_156] : memref<10240x128xf32, #tpu.memory_space<hbm>> -> memref<10240x128xf32, #tpu.memory_space<hbm>>
        %dma_start3A_158 = tpu.memref_slice %arg10[%dma_start3A_147] : memref<2x!tpu.dma_semaphore, #tpu.memory_space<semaphore_mem>> -> memref<1x!tpu.dma_semaphore, #tpu.memory_space<semaphore_mem>>
        %dma_start3A_159 = tpu.memref_squeeze %dma_start3A_158 : memref<1x!tpu.dma_semaphore, #tpu.memory_space<semaphore_mem>> -> memref<!tpu.dma_semaphore, #tpu.memory_space<semaphore_mem>>
        tpu.enqueue_indirect_dma source(%dma_start3A_157 : memref<10240x128xf32, #tpu.memory_space<hbm>>) target(%dma_start3A_151 : memref<128x128xf32, #tpu.memory_space<vmem>>) offsets(%dma_start3A_154 : memref<128xi32, #tpu.memory_space<vmem>>) semaphore(%dma_start3A_159 : memref<!tpu.dma_semaphore, #tpu.memory_space<semaphore_mem>>)
      } else {
      }
      %mul3A_133 = arith.constant 2 : i32
      %mul3A_134 = arith.muli %scan3A_89, %mul3A_133 : i32
      %add3A_135 = arith.constant 1 : i32
      %add3A_136 = arith.addi %mul3A_134, %add3A_135 : i32
      %add3A_137 = arith.constant 2 : i32
      %add3A_138 = arith.addi %add3A_136, %add3A_137 : i32
      %lt3A_139 = arith.constant 40 : i32
      %lt3A_140 = arith.cmpi slt, %add3A_138, %lt3A_139 : i32
      %convert_element_type3A_141 = arith.extui %lt3A_140 : i1 to i32
      %cond3A_142 = arith.constant 0 : i32
      %cond3A_143 = arith.cmpi ne, %convert_element_type3A_141, %cond3A_142 : i32
      scf.if %cond3A_143 {
        %add3A_144 = arith.constant 2 : i32
        %add3A_145 = arith.addi %add3A_136, %add3A_144 : i32
        %dma_start3A_146 = arith.constant 1 : i32
        %dma_start3A_147 = arith.constant 1 : i32
        %dma_start3A_148 = arith.constant 0 : i32
        %dma_start3A_149 = arith.constant 0 : i32
        %dma_start3A_150 = tpu.memref_slice %arg8[%dma_start3A_146, %dma_start3A_148, %dma_start3A_149] : memref<2x128x128xf32, #tpu.memory_space<vmem>> -> memref<1x128x128xf32, #tpu.memory_space<vmem>>
        %dma_start3A_151 = tpu.memref_squeeze %dma_start3A_150 : memref<1x128x128xf32, #tpu.memory_space<vmem>> -> memref<128x128xf32, #tpu.memory_space<vmem>>
        %dma_start3A_152 = arith.constant 0 : i32
        %dma_start3A_153 = tpu.memref_slice %arg6[%add3A_145, %dma_start3A_152] : memref<40x128xi32, #tpu.memory_space<vmem>> -> memref<1x128xi32, #tpu.memory_space<vmem>>
        %dma_start3A_154 = tpu.memref_squeeze %dma_start3A_153 : memref<1x128xi32, #tpu.memory_space<vmem>> -> memref<128xi32, #tpu.memory_space<vmem>>
        %dma_start3A_155 = arith.constant 0 : i32
        %dma_start3A_156 = arith.constant 0 : i32
        %dma_start3A_157 = tpu.memref_slice %arg2[%dma_start3A_155, %dma_start3A_156] : memref<10240x128xf32, #tpu.memory_space<hbm>> -> memref<10240x128xf32, #tpu.memory_space<hbm>>
        %dma_start3A_158 = tpu.memref_slice %arg10[%dma_start3A_147] : memref<2x!tpu.dma_semaphore, #tpu.memory_space<semaphore_mem>> -> memref<1x!tpu.dma_semaphore, #tpu.memory_space<semaphore_mem>>
        %dma_start3A_159 = tpu.memref_squeeze %dma_start3A_158 : memref<1x!tpu.dma_semaphore, #tpu.memory_space<semaphore_mem>> -> memref<!tpu.dma_semaphore, #tpu.memory_space<semaphore_mem>>
        tpu.enqueue_indirect_dma source(%dma_start3A_157 : memref<10240x128xf32, #tpu.memory_space<hbm>>) target(%dma_start3A_151 : memref<128x128xf32, #tpu.memory_space<vmem>>) offsets(%dma_start3A_154 : memref<128xi32, #tpu.memory_space<vmem>>) semaphore(%dma_start3A_159 : memref<!tpu.dma_semaphore, #tpu.memory_space<semaphore_mem>>)
      } else {
      }
    }
    %scan3A_85 = arith.constant 20 : i32
    %barrier3A_86 = arith.constant 0 : index
    tpu.barrier barrier_id(%barrier3A_86)
    %mul3A_87 = arith.constant 640 : i32
    %mul3A_88 = arith.muli %arg1, %mul3A_87 : i32
    "tpu.region"() ({
      %run_scoped3A_89 = tpu.sem_alloc : memref<!tpu.dma_semaphore, #tpu.memory_space<semaphore_mem>>
      %dma_start3A_90 = arith.constant 0 : i32
      %dma_start3A_91 = tpu.memref_slice %arg5[%arg0, %mul3A_88, %dma_start3A_90] : memref<2x10240x128xf32, #tpu.memory_space<hbm>> -> memref<1x640x128xf32, #tpu.memory_space<hbm>>
      %dma_start3A_92 = tpu.memref_squeeze %dma_start3A_91 : memref<1x640x128xf32, #tpu.memory_space<hbm>> -> memref<640x128xf32, #tpu.memory_space<hbm>>
      %dma_start3A_93 = arith.constant 0 : i32
      %dma_start3A_94 = tpu.memref_slice %arg9[%mul3A_88, %dma_start3A_93] : memref<10240x128xf32, #tpu.memory_space<vmem_shared>> -> memref<640x128xf32, #tpu.memory_space<vmem_shared>>
      tpu.enqueue_dma source(%dma_start3A_94 : memref<640x128xf32, #tpu.memory_space<vmem_shared>>) target(%dma_start3A_92 : memref<640x128xf32, #tpu.memory_space<hbm>>) target_semaphore(%run_scoped3A_89 : memref<!tpu.dma_semaphore, #tpu.memory_space<semaphore_mem>>)
      %dma_wait3A = arith.constant 0 : i32
      %dma_wait3A_95 = tpu.memref_slice %arg5[%arg0, %mul3A_88, %dma_wait3A] : memref<2x10240x128xf32, #tpu.memory_space<hbm>> -> memref<1x640x128xf32, #tpu.memory_space<hbm>>
      %dma_wait3A_96 = tpu.memref_squeeze %dma_wait3A_95 : memref<1x640x128xf32, #tpu.memory_space<hbm>> -> memref<640x128xf32, #tpu.memory_space<hbm>>
      %dma_wait3A_97 = arith.constant 0 : i32
      %dma_wait3A_98 = tpu.memref_slice %arg9[%mul3A_88, %dma_wait3A_97] : memref<10240x128xf32, #tpu.memory_space<vmem_shared>> -> memref<640x128xf32, #tpu.memory_space<vmem_shared>>
      tpu.wait_dma2 semaphore(%run_scoped3A_89 : memref<!tpu.dma_semaphore, #tpu.memory_space<semaphore_mem>>) src(%dma_wait3A_98 : memref<640x128xf32, #tpu.memory_space<vmem_shared>>) dst(%dma_wait3A_96 : memref<640x128xf32, #tpu.memory_space<hbm>>)
      tpu.yield
    }) : () -> ()
    return
  }
}

#map = affine_map<(d0, d1) -> (0, 0)>
#map1 = affine_map<(d0, d1) -> (0, 0, 0)>
module attributes {stable_mosaic.version = 14 : i64} {
  func.func @_agg_body(%arg0: i32, %arg1: i32, %arg2: memref<10240x128xf32, #tpu.memory_space<hbm>>, %arg3: memref<2x2560x128xi32, #tpu.memory_space<hbm>>, %arg4: memref<640x128xf32, #tpu.memory_space<hbm>>, %arg5: memref<2x10240x128xf32, #tpu.memory_space<hbm>>, %arg6: memref<40x128xi32, #tpu.memory_space<vmem>>, %arg7: memref<40x128xi32, #tpu.memory_space<vmem>>, %arg8: memref<2x128x128xf32, #tpu.memory_space<vmem>>, %arg9: memref<10240x128xf32, #tpu.memory_space<vmem_shared>>, %arg10: memref<2x!tpu.dma_semaphore, #tpu.memory_space<semaphore_mem>>, %arg11: memref<2x!tpu.dma_semaphore, #tpu.memory_space<semaphore_mem>>) attributes {dimension_semantics = [#tpu.dimension_semantics<core_parallel>, #tpu.dimension_semantics<subcore_parallel>], iteration_bounds = array<i64: 2, 16>, scalar_prefetch = 0 : i64, scratch_operands = 6 : i64, tpu.core_type = #tpu.core_type<sc_vector_subcore>, window_params = [{transform_indices = #map}, {transform_indices = #map1}, {transform_indices = #map}, {transform_indices = #map1}]} {
    %mul3A = arith.constant 2 : i32
    %mul3A_0 = arith.muli %arg1, %mul3A : i32
    %add3A = arith.addi %mul3A_0, %arg0 : i32
    %mul3A_1 = arith.constant 80 : i32
    %mul3A_2 = arith.muli %add3A, %mul3A_1 : i32
    %mul3A_3 = arith.constant 640 : i32
    %mul3A_4 = arith.muli %arg1, %mul3A_3 : i32
    "tpu.region"() ({
      %run_scoped3A_89 = tpu.sem_alloc : memref<!tpu.dma_semaphore, #tpu.memory_space<semaphore_mem>>
      %dma_start3A_90 = arith.constant 0 : i32
      %dma_start3A_91 = tpu.memref_slice %arg9[%mul3A_4, %dma_start3A_90] : memref<10240x128xf32, #tpu.memory_space<vmem_shared>> -> memref<640x128xf32, #tpu.memory_space<vmem_shared>>
      tpu.enqueue_dma source(%arg4 : memref<640x128xf32, #tpu.memory_space<hbm>>) target(%dma_start3A_91 : memref<640x128xf32, #tpu.memory_space<vmem_shared>>) target_semaphore(%run_scoped3A_89 : memref<!tpu.dma_semaphore, #tpu.memory_space<semaphore_mem>>)
      %dma_wait3A = arith.constant 0 : i32
      %dma_wait3A_92 = tpu.memref_slice %arg9[%mul3A_4, %dma_wait3A] : memref<10240x128xf32, #tpu.memory_space<vmem_shared>> -> memref<640x128xf32, #tpu.memory_space<vmem_shared>>
      tpu.wait_dma2 semaphore(%run_scoped3A_89 : memref<!tpu.dma_semaphore, #tpu.memory_space<semaphore_mem>>) src(%arg4 : memref<640x128xf32, #tpu.memory_space<hbm>>) dst(%dma_wait3A_92 : memref<640x128xf32, #tpu.memory_space<vmem_shared>>)
      tpu.yield
    }) : () -> ()
    %barrier3A = arith.constant 0 : index
    tpu.barrier barrier_id(%barrier3A)
    %add3A_5 = arith.constant 0 : i32
    %add3A_6 = arith.addi %mul3A_2, %add3A_5 : i32
    %run_scoped3A = arith.constant 0 : i32
    "tpu.region"() ({
      %run_scoped3A_89 = tpu.sem_alloc : memref<!tpu.dma_semaphore, #tpu.memory_space<semaphore_mem>>
      %dma_start3A_90 = arith.constant 0 : i32
      %dma_start3A_91 = tpu.memref_slice %arg3[%run_scoped3A, %add3A_6, %dma_start3A_90] : memref<2x2560x128xi32, #tpu.memory_space<hbm>> -> memref<1x40x128xi32, #tpu.memory_space<hbm>>
      %dma_start3A_92 = tpu.memref_squeeze %dma_start3A_91 : memref<1x40x128xi32, #tpu.memory_space<hbm>> -> memref<40x128xi32, #tpu.memory_space<hbm>>
      %dma_start3A_93 = arith.constant 0 : i32
      %dma_start3A_94 = tpu.memref_slice %arg3[%run_scoped3A, %add3A_6, %dma_start3A_93] : memref<2x2560x128xi32, #tpu.memory_space<hbm>> -> memref<1x40x128xi32, #tpu.memory_space<hbm>>
      %dma_start3A_95 = tpu.memref_squeeze %dma_start3A_94 : memref<1x40x128xi32, #tpu.memory_space<hbm>> -> memref<40x128xi32, #tpu.memory_space<hbm>>
      tpu.enqueue_dma source(%dma_start3A_95 : memref<40x128xi32, #tpu.memory_space<hbm>>) target(%arg6 : memref<40x128xi32, #tpu.memory_space<vmem>>) target_semaphore(%run_scoped3A_89 : memref<!tpu.dma_semaphore, #tpu.memory_space<semaphore_mem>>)
      %dma_wait3A = arith.constant 0 : i32
      %dma_wait3A_96 = tpu.memref_slice %arg3[%run_scoped3A, %add3A_6, %dma_wait3A] : memref<2x2560x128xi32, #tpu.memory_space<hbm>> -> memref<1x40x128xi32, #tpu.memory_space<hbm>>
      %dma_wait3A_97 = tpu.memref_squeeze %dma_wait3A_96 : memref<1x40x128xi32, #tpu.memory_space<hbm>> -> memref<40x128xi32, #tpu.memory_space<hbm>>
      %dma_wait3A_98 = arith.constant 0 : i32
      %dma_wait3A_99 = tpu.memref_slice %arg3[%run_scoped3A, %add3A_6, %dma_wait3A_98] : memref<2x2560x128xi32, #tpu.memory_space<hbm>> -> memref<1x40x128xi32, #tpu.memory_space<hbm>>
      %dma_wait3A_100 = tpu.memref_squeeze %dma_wait3A_99 : memref<1x40x128xi32, #tpu.memory_space<hbm>> -> memref<40x128xi32, #tpu.memory_space<hbm>>
      tpu.wait_dma2 semaphore(%run_scoped3A_89 : memref<!tpu.dma_semaphore, #tpu.memory_space<semaphore_mem>>) src(%dma_wait3A_100 : memref<40x128xi32, #tpu.memory_space<hbm>>) dst(%arg6 : memref<40x128xi32, #tpu.memory_space<vmem>>)
      tpu.yield
    }) : () -> ()
    %add3A_7 = arith.constant 0 : i32
    %add3A_8 = arith.addi %mul3A_2, %add3A_7 : i32
    %run_scoped3A_9 = arith.constant 1 : i32
    "tpu.region"() ({
      %run_scoped3A_89 = tpu.sem_alloc : memref<!tpu.dma_semaphore, #tpu.memory_space<semaphore_mem>>
      %dma_start3A_90 = arith.constant 0 : i32
      %dma_start3A_91 = tpu.memref_slice %arg3[%run_scoped3A_9, %add3A_8, %dma_start3A_90] : memref<2x2560x128xi32, #tpu.memory_space<hbm>> -> memref<1x40x128xi32, #tpu.memory_space<hbm>>
      %dma_start3A_92 = tpu.memref_squeeze %dma_start3A_91 : memref<1x40x128xi32, #tpu.memory_space<hbm>> -> memref<40x128xi32, #tpu.memory_space<hbm>>
      %dma_start3A_93 = arith.constant 0 : i32
      %dma_start3A_94 = tpu.memref_slice %arg3[%run_scoped3A_9, %add3A_8, %dma_start3A_93] : memref<2x2560x128xi32, #tpu.memory_space<hbm>> -> memref<1x40x128xi32, #tpu.memory_space<hbm>>
      %dma_start3A_95 = tpu.memref_squeeze %dma_start3A_94 : memref<1x40x128xi32, #tpu.memory_space<hbm>> -> memref<40x128xi32, #tpu.memory_space<hbm>>
      tpu.enqueue_dma source(%dma_start3A_95 : memref<40x128xi32, #tpu.memory_space<hbm>>) target(%arg7 : memref<40x128xi32, #tpu.memory_space<vmem>>) target_semaphore(%run_scoped3A_89 : memref<!tpu.dma_semaphore, #tpu.memory_space<semaphore_mem>>)
      %dma_wait3A = arith.constant 0 : i32
      %dma_wait3A_96 = tpu.memref_slice %arg3[%run_scoped3A_9, %add3A_8, %dma_wait3A] : memref<2x2560x128xi32, #tpu.memory_space<hbm>> -> memref<1x40x128xi32, #tpu.memory_space<hbm>>
      %dma_wait3A_97 = tpu.memref_squeeze %dma_wait3A_96 : memref<1x40x128xi32, #tpu.memory_space<hbm>> -> memref<40x128xi32, #tpu.memory_space<hbm>>
      %dma_wait3A_98 = arith.constant 0 : i32
      %dma_wait3A_99 = tpu.memref_slice %arg3[%run_scoped3A_9, %add3A_8, %dma_wait3A_98] : memref<2x2560x128xi32, #tpu.memory_space<hbm>> -> memref<1x40x128xi32, #tpu.memory_space<hbm>>
      %dma_wait3A_100 = tpu.memref_squeeze %dma_wait3A_99 : memref<1x40x128xi32, #tpu.memory_space<hbm>> -> memref<40x128xi32, #tpu.memory_space<hbm>>
      tpu.wait_dma2 semaphore(%run_scoped3A_89 : memref<!tpu.dma_semaphore, #tpu.memory_space<semaphore_mem>>) src(%dma_wait3A_100 : memref<40x128xi32, #tpu.memory_space<hbm>>) dst(%arg7 : memref<40x128xi32, #tpu.memory_space<vmem>>)
      tpu.yield
    }) : () -> ()
    %dma_start3A = arith.constant 0 : i32
    %dma_start3A_10 = arith.constant 0 : i32
    %dma_start3A_11 = arith.constant 0 : i32
    %dma_start3A_12 = arith.constant 0 : i32
    %dma_start3A_13 = arith.constant 0 : i32
    %dma_start3A_14 = tpu.memref_slice %arg8[%dma_start3A_10, %dma_start3A_12, %dma_start3A_13] : memref<2x128x128xf32, #tpu.memory_space<vmem>> -> memref<1x128x128xf32, #tpu.memory_space<vmem>>
    %dma_start3A_15 = tpu.memref_squeeze %dma_start3A_14 : memref<1x128x128xf32, #tpu.memory_space<vmem>> -> memref<128x128xf32, #tpu.memory_space<vmem>>
    %dma_start3A_16 = arith.constant 0 : i32
    %dma_start3A_17 = tpu.memref_slice %arg6[%dma_start3A, %dma_start3A_16] : memref<40x128xi32, #tpu.memory_space<vmem>> -> memref<1x128xi32, #tpu.memory_space<vmem>>
    %dma_start3A_18 = tpu.memref_squeeze %dma_start3A_17 : memref<1x128xi32, #tpu.memory_space<vmem>> -> memref<128xi32, #tpu.memory_space<vmem>>
    %dma_start3A_19 = arith.constant 0 : i32
    %dma_start3A_20 = arith.constant 0 : i32
    %dma_start3A_21 = tpu.memref_slice %arg2[%dma_start3A_19, %dma_start3A_20] : memref<10240x128xf32, #tpu.memory_space<hbm>> -> memref<10240x128xf32, #tpu.memory_space<hbm>>
    %dma_start3A_22 = tpu.memref_slice %arg10[%dma_start3A_11] : memref<2x!tpu.dma_semaphore, #tpu.memory_space<semaphore_mem>> -> memref<1x!tpu.dma_semaphore, #tpu.memory_space<semaphore_mem>>
    %dma_start3A_23 = tpu.memref_squeeze %dma_start3A_22 : memref<1x!tpu.dma_semaphore, #tpu.memory_space<semaphore_mem>> -> memref<!tpu.dma_semaphore, #tpu.memory_space<semaphore_mem>>
    tpu.enqueue_indirect_dma source(%dma_start3A_21 : memref<10240x128xf32, #tpu.memory_space<hbm>>) target(%dma_start3A_15 : memref<128x128xf32, #tpu.memory_space<vmem>>) offsets(%dma_start3A_18 : memref<128xi32, #tpu.memory_space<vmem>>) semaphore(%dma_start3A_23 : memref<!tpu.dma_semaphore, #tpu.memory_space<semaphore_mem>>)
    %dma_start3A_24 = arith.constant 1 : i32
    %dma_start3A_25 = arith.constant 1 : i32
    %dma_start3A_26 = arith.constant 1 : i32
    %dma_start3A_27 = arith.constant 0 : i32
    %dma_start3A_28 = arith.constant 0 : i32
    %dma_start3A_29 = tpu.memref_slice %arg8[%dma_start3A_25, %dma_start3A_27, %dma_start3A_28] : memref<2x128x128xf32, #tpu.memory_space<vmem>> -> memref<1x128x128xf32, #tpu.memory_space<vmem>>
    %dma_start3A_30 = tpu.memref_squeeze %dma_start3A_29 : memref<1x128x128xf32, #tpu.memory_space<vmem>> -> memref<128x128xf32, #tpu.memory_space<vmem>>
    %dma_start3A_31 = arith.constant 0 : i32
    %dma_start3A_32 = tpu.memref_slice %arg6[%dma_start3A_24, %dma_start3A_31] : memref<40x128xi32, #tpu.memory_space<vmem>> -> memref<1x128xi32, #tpu.memory_space<vmem>>
    %dma_start3A_33 = tpu.memref_squeeze %dma_start3A_32 : memref<1x128xi32, #tpu.memory_space<vmem>> -> memref<128xi32, #tpu.memory_space<vmem>>
    %dma_start3A_34 = arith.constant 0 : i32
    %dma_start3A_35 = arith.constant 0 : i32
    %dma_start3A_36 = tpu.memref_slice %arg2[%dma_start3A_34, %dma_start3A_35] : memref<10240x128xf32, #tpu.memory_space<hbm>> -> memref<10240x128xf32, #tpu.memory_space<hbm>>
    %dma_start3A_37 = tpu.memref_slice %arg10[%dma_start3A_26] : memref<2x!tpu.dma_semaphore, #tpu.memory_space<semaphore_mem>> -> memref<1x!tpu.dma_semaphore, #tpu.memory_space<semaphore_mem>>
    %dma_start3A_38 = tpu.memref_squeeze %dma_start3A_37 : memref<1x!tpu.dma_semaphore, #tpu.memory_space<semaphore_mem>> -> memref<!tpu.dma_semaphore, #tpu.memory_space<semaphore_mem>>
    tpu.enqueue_indirect_dma source(%dma_start3A_36 : memref<10240x128xf32, #tpu.memory_space<hbm>>) target(%dma_start3A_30 : memref<128x128xf32, #tpu.memory_space<vmem>>) offsets(%dma_start3A_33 : memref<128xi32, #tpu.memory_space<vmem>>) semaphore(%dma_start3A_38 : memref<!tpu.dma_semaphore, #tpu.memory_space<semaphore_mem>>)
    %scan3A = arith.constant 0 : i32
    %scan3A_39 = arith.constant 0 : i32
    %scan3A_40 = arith.constant 20 : i32
    %scan3A_41 = arith.addi %scan3A_39, %scan3A_40 : i32
    %scan3A_42 = arith.constant 1 : i32
    scf.for %scan3A_89 = %scan3A_39 to %scan3A_41 step %scan3A_42  : i32 {
      %mul3A_90 = arith.constant 2 : i32
      %mul3A_91 = arith.muli %scan3A_89, %mul3A_90 : i32
      %add3A_92 = arith.constant 0 : i32
      %add3A_93 = arith.addi %mul3A_91, %add3A_92 : i32
      %dma_wait3A = arith.constant 0 : i32
      %dma_wait3A_94 = arith.constant 0 : i32
      %dma_wait3A_95 = arith.constant 0 : i32
      %dma_wait3A_96 = arith.constant 0 : i32
      %dma_wait3A_97 = tpu.memref_slice %arg8[%dma_wait3A, %dma_wait3A_95, %dma_wait3A_96] : memref<2x128x128xf32, #tpu.memory_space<vmem>> -> memref<1x128x128xf32, #tpu.memory_space<vmem>>
      %dma_wait3A_98 = tpu.memref_squeeze %dma_wait3A_97 : memref<1x128x128xf32, #tpu.memory_space<vmem>> -> memref<128x128xf32, #tpu.memory_space<vmem>>
      %dma_wait3A_99 = arith.constant 0 : i32
      %dma_wait3A_100 = tpu.memref_slice %arg6[%add3A_93, %dma_wait3A_99] : memref<40x128xi32, #tpu.memory_space<vmem>> -> memref<1x128xi32, #tpu.memory_space<vmem>>
      %dma_wait3A_101 = tpu.memref_squeeze %dma_wait3A_100 : memref<1x128xi32, #tpu.memory_space<vmem>> -> memref<128xi32, #tpu.memory_space<vmem>>
      %dma_wait3A_102 = arith.constant 0 : i32
      %dma_wait3A_103 = arith.constant 0 : i32
      %dma_wait3A_104 = tpu.memref_slice %arg2[%dma_wait3A_102, %dma_wait3A_103] : memref<10240x128xf32, #tpu.memory_space<hbm>> -> memref<10240x128xf32, #tpu.memory_space<hbm>>
      %dma_wait3A_105 = tpu.memref_slice %arg10[%dma_wait3A_94] : memref<2x!tpu.dma_semaphore, #tpu.memory_space<semaphore_mem>> -> memref<1x!tpu.dma_semaphore, #tpu.memory_space<semaphore_mem>>
      %dma_wait3A_106 = tpu.memref_squeeze %dma_wait3A_105 : memref<1x!tpu.dma_semaphore, #tpu.memory_space<semaphore_mem>> -> memref<!tpu.dma_semaphore, #tpu.memory_space<semaphore_mem>>
      tpu.wait_indirect_dma semaphore(%dma_wait3A_106 : memref<!tpu.dma_semaphore, #tpu.memory_space<semaphore_mem>>) src(%dma_wait3A_104 : memref<10240x128xf32, #tpu.memory_space<hbm>>) dst(%dma_wait3A_98 : memref<128x128xf32, #tpu.memory_space<vmem>>)
      %mul3A_107 = arith.constant 2 : i32
      %mul3A_108 = arith.muli %scan3A_89, %mul3A_107 : i32
      %add3A_109 = arith.constant 1 : i32
      %add3A_110 = arith.addi %mul3A_108, %add3A_109 : i32
      %dma_wait3A_111 = arith.constant 1 : i32
      %dma_wait3A_112 = arith.constant 1 : i32
      %dma_wait3A_113 = arith.constant 0 : i32
      %dma_wait3A_114 = arith.constant 0 : i32
      %dma_wait3A_115 = tpu.memref_slice %arg8[%dma_wait3A_111, %dma_wait3A_113, %dma_wait3A_114] : memref<2x128x128xf32, #tpu.memory_space<vmem>> -> memref<1x128x128xf32, #tpu.memory_space<vmem>>
      %dma_wait3A_116 = tpu.memref_squeeze %dma_wait3A_115 : memref<1x128x128xf32, #tpu.memory_space<vmem>> -> memref<128x128xf32, #tpu.memory_space<vmem>>
      %dma_wait3A_117 = arith.constant 0 : i32
      %dma_wait3A_118 = tpu.memref_slice %arg6[%add3A_110, %dma_wait3A_117] : memref<40x128xi32, #tpu.memory_space<vmem>> -> memref<1x128xi32, #tpu.memory_space<vmem>>
      %dma_wait3A_119 = tpu.memref_squeeze %dma_wait3A_118 : memref<1x128xi32, #tpu.memory_space<vmem>> -> memref<128xi32, #tpu.memory_space<vmem>>
      %dma_wait3A_120 = arith.constant 0 : i32
      %dma_wait3A_121 = arith.constant 0 : i32
      %dma_wait3A_122 = tpu.memref_slice %arg2[%dma_wait3A_120, %dma_wait3A_121] : memref<10240x128xf32, #tpu.memory_space<hbm>> -> memref<10240x128xf32, #tpu.memory_space<hbm>>
      %dma_wait3A_123 = tpu.memref_slice %arg10[%dma_wait3A_112] : memref<2x!tpu.dma_semaphore, #tpu.memory_space<semaphore_mem>> -> memref<1x!tpu.dma_semaphore, #tpu.memory_space<semaphore_mem>>
      %dma_wait3A_124 = tpu.memref_squeeze %dma_wait3A_123 : memref<1x!tpu.dma_semaphore, #tpu.memory_space<semaphore_mem>> -> memref<!tpu.dma_semaphore, #tpu.memory_space<semaphore_mem>>
      tpu.wait_indirect_dma semaphore(%dma_wait3A_124 : memref<!tpu.dma_semaphore, #tpu.memory_space<semaphore_mem>>) src(%dma_wait3A_122 : memref<10240x128xf32, #tpu.memory_space<hbm>>) dst(%dma_wait3A_116 : memref<128x128xf32, #tpu.memory_space<vmem>>)
      %mul3A_125 = arith.constant 2 : i32
      %mul3A_126 = arith.muli %scan3A_89, %mul3A_125 : i32
      %add3A_127 = arith.constant 0 : i32
      %add3A_128 = arith.addi %mul3A_126, %add3A_127 : i32
      %add3A_129 = arith.constant 2 : i32
      %add3A_130 = arith.addi %add3A_128, %add3A_129 : i32
      %lt3A = arith.constant 40 : i32
      %lt3A_131 = arith.cmpi slt, %add3A_130, %lt3A : i32
      %convert_element_type3A = arith.extui %lt3A_131 : i1 to i32
      %cond3A = arith.constant 0 : i32
      %cond3A_132 = arith.cmpi ne, %convert_element_type3A, %cond3A : i32
      scf.if %cond3A_132 {
        %add3A_144 = arith.constant 2 : i32
        %add3A_145 = arith.addi %add3A_128, %add3A_144 : i32
        %dma_start3A_146 = arith.constant 0 : i32
        %dma_start3A_147 = arith.constant 0 : i32
        %dma_start3A_148 = arith.constant 0 : i32
        %dma_start3A_149 = arith.constant 0 : i32
        %dma_start3A_150 = tpu.memref_slice %arg8[%dma_start3A_146, %dma_start3A_148, %dma_start3A_149] : memref<2x128x128xf32, #tpu.memory_space<vmem>> -> memref<1x128x128xf32, #tpu.memory_space<vmem>>
        %dma_start3A_151 = tpu.memref_squeeze %dma_start3A_150 : memref<1x128x128xf32, #tpu.memory_space<vmem>> -> memref<128x128xf32, #tpu.memory_space<vmem>>
        %dma_start3A_152 = arith.constant 0 : i32
        %dma_start3A_153 = tpu.memref_slice %arg6[%add3A_145, %dma_start3A_152] : memref<40x128xi32, #tpu.memory_space<vmem>> -> memref<1x128xi32, #tpu.memory_space<vmem>>
        %dma_start3A_154 = tpu.memref_squeeze %dma_start3A_153 : memref<1x128xi32, #tpu.memory_space<vmem>> -> memref<128xi32, #tpu.memory_space<vmem>>
        %dma_start3A_155 = arith.constant 0 : i32
        %dma_start3A_156 = arith.constant 0 : i32
        %dma_start3A_157 = tpu.memref_slice %arg2[%dma_start3A_155, %dma_start3A_156] : memref<10240x128xf32, #tpu.memory_space<hbm>> -> memref<10240x128xf32, #tpu.memory_space<hbm>>
        %dma_start3A_158 = tpu.memref_slice %arg10[%dma_start3A_147] : memref<2x!tpu.dma_semaphore, #tpu.memory_space<semaphore_mem>> -> memref<1x!tpu.dma_semaphore, #tpu.memory_space<semaphore_mem>>
        %dma_start3A_159 = tpu.memref_squeeze %dma_start3A_158 : memref<1x!tpu.dma_semaphore, #tpu.memory_space<semaphore_mem>> -> memref<!tpu.dma_semaphore, #tpu.memory_space<semaphore_mem>>
        tpu.enqueue_indirect_dma source(%dma_start3A_157 : memref<10240x128xf32, #tpu.memory_space<hbm>>) target(%dma_start3A_151 : memref<128x128xf32, #tpu.memory_space<vmem>>) offsets(%dma_start3A_154 : memref<128xi32, #tpu.memory_space<vmem>>) semaphore(%dma_start3A_159 : memref<!tpu.dma_semaphore, #tpu.memory_space<semaphore_mem>>)
      } else {
      }
      %mul3A_133 = arith.constant 2 : i32
      %mul3A_134 = arith.muli %scan3A_89, %mul3A_133 : i32
      %add3A_135 = arith.constant 1 : i32
      %add3A_136 = arith.addi %mul3A_134, %add3A_135 : i32
      %add3A_137 = arith.constant 2 : i32
      %add3A_138 = arith.addi %add3A_136, %add3A_137 : i32
      %lt3A_139 = arith.constant 40 : i32
      %lt3A_140 = arith.cmpi slt, %add3A_138, %lt3A_139 : i32
      %convert_element_type3A_141 = arith.extui %lt3A_140 : i1 to i32
      %cond3A_142 = arith.constant 0 : i32
      %cond3A_143 = arith.cmpi ne, %convert_element_type3A_141, %cond3A_142 : i32
      scf.if %cond3A_143 {
        %add3A_144 = arith.constant 2 : i32
        %add3A_145 = arith.addi %add3A_136, %add3A_144 : i32
        %dma_start3A_146 = arith.constant 1 : i32
        %dma_start3A_147 = arith.constant 1 : i32
        %dma_start3A_148 = arith.constant 0 : i32
        %dma_start3A_149 = arith.constant 0 : i32
        %dma_start3A_150 = tpu.memref_slice %arg8[%dma_start3A_146, %dma_start3A_148, %dma_start3A_149] : memref<2x128x128xf32, #tpu.memory_space<vmem>> -> memref<1x128x128xf32, #tpu.memory_space<vmem>>
        %dma_start3A_151 = tpu.memref_squeeze %dma_start3A_150 : memref<1x128x128xf32, #tpu.memory_space<vmem>> -> memref<128x128xf32, #tpu.memory_space<vmem>>
        %dma_start3A_152 = arith.constant 0 : i32
        %dma_start3A_153 = tpu.memref_slice %arg6[%add3A_145, %dma_start3A_152] : memref<40x128xi32, #tpu.memory_space<vmem>> -> memref<1x128xi32, #tpu.memory_space<vmem>>
        %dma_start3A_154 = tpu.memref_squeeze %dma_start3A_153 : memref<1x128xi32, #tpu.memory_space<vmem>> -> memref<128xi32, #tpu.memory_space<vmem>>
        %dma_start3A_155 = arith.constant 0 : i32
        %dma_start3A_156 = arith.constant 0 : i32
        %dma_start3A_157 = tpu.memref_slice %arg2[%dma_start3A_155, %dma_start3A_156] : memref<10240x128xf32, #tpu.memory_space<hbm>> -> memref<10240x128xf32, #tpu.memory_space<hbm>>
        %dma_start3A_158 = tpu.memref_slice %arg10[%dma_start3A_147] : memref<2x!tpu.dma_semaphore, #tpu.memory_space<semaphore_mem>> -> memref<1x!tpu.dma_semaphore, #tpu.memory_space<semaphore_mem>>
        %dma_start3A_159 = tpu.memref_squeeze %dma_start3A_158 : memref<1x!tpu.dma_semaphore, #tpu.memory_space<semaphore_mem>> -> memref<!tpu.dma_semaphore, #tpu.memory_space<semaphore_mem>>
        tpu.enqueue_indirect_dma source(%dma_start3A_157 : memref<10240x128xf32, #tpu.memory_space<hbm>>) target(%dma_start3A_151 : memref<128x128xf32, #tpu.memory_space<vmem>>) offsets(%dma_start3A_154 : memref<128xi32, #tpu.memory_space<vmem>>) semaphore(%dma_start3A_159 : memref<!tpu.dma_semaphore, #tpu.memory_space<semaphore_mem>>)
      } else {
      }
    }
    %scan3A_43 = arith.constant 20 : i32
    %add3A_44 = arith.constant 40 : i32
    %add3A_45 = arith.addi %mul3A_2, %add3A_44 : i32
    %run_scoped3A_46 = arith.constant 0 : i32
    "tpu.region"() ({
      %run_scoped3A_89 = tpu.sem_alloc : memref<!tpu.dma_semaphore, #tpu.memory_space<semaphore_mem>>
      %dma_start3A_90 = arith.constant 0 : i32
      %dma_start3A_91 = tpu.memref_slice %arg3[%run_scoped3A_46, %add3A_45, %dma_start3A_90] : memref<2x2560x128xi32, #tpu.memory_space<hbm>> -> memref<1x40x128xi32, #tpu.memory_space<hbm>>
      %dma_start3A_92 = tpu.memref_squeeze %dma_start3A_91 : memref<1x40x128xi32, #tpu.memory_space<hbm>> -> memref<40x128xi32, #tpu.memory_space<hbm>>
      %dma_start3A_93 = arith.constant 0 : i32
      %dma_start3A_94 = tpu.memref_slice %arg3[%run_scoped3A_46, %add3A_45, %dma_start3A_93] : memref<2x2560x128xi32, #tpu.memory_space<hbm>> -> memref<1x40x128xi32, #tpu.memory_space<hbm>>
      %dma_start3A_95 = tpu.memref_squeeze %dma_start3A_94 : memref<1x40x128xi32, #tpu.memory_space<hbm>> -> memref<40x128xi32, #tpu.memory_space<hbm>>
      tpu.enqueue_dma source(%dma_start3A_95 : memref<40x128xi32, #tpu.memory_space<hbm>>) target(%arg6 : memref<40x128xi32, #tpu.memory_space<vmem>>) target_semaphore(%run_scoped3A_89 : memref<!tpu.dma_semaphore, #tpu.memory_space<semaphore_mem>>)
      %dma_wait3A = arith.constant 0 : i32
      %dma_wait3A_96 = tpu.memref_slice %arg3[%run_scoped3A_46, %add3A_45, %dma_wait3A] : memref<2x2560x128xi32, #tpu.memory_space<hbm>> -> memref<1x40x128xi32, #tpu.memory_space<hbm>>
      %dma_wait3A_97 = tpu.memref_squeeze %dma_wait3A_96 : memref<1x40x128xi32, #tpu.memory_space<hbm>> -> memref<40x128xi32, #tpu.memory_space<hbm>>
      %dma_wait3A_98 = arith.constant 0 : i32
      %dma_wait3A_99 = tpu.memref_slice %arg3[%run_scoped3A_46, %add3A_45, %dma_wait3A_98] : memref<2x2560x128xi32, #tpu.memory_space<hbm>> -> memref<1x40x128xi32, #tpu.memory_space<hbm>>
      %dma_wait3A_100 = tpu.memref_squeeze %dma_wait3A_99 : memref<1x40x128xi32, #tpu.memory_space<hbm>> -> memref<40x128xi32, #tpu.memory_space<hbm>>
      tpu.wait_dma2 semaphore(%run_scoped3A_89 : memref<!tpu.dma_semaphore, #tpu.memory_space<semaphore_mem>>) src(%dma_wait3A_100 : memref<40x128xi32, #tpu.memory_space<hbm>>) dst(%arg6 : memref<40x128xi32, #tpu.memory_space<vmem>>)
      tpu.yield
    }) : () -> ()
    %add3A_47 = arith.constant 40 : i32
    %add3A_48 = arith.addi %mul3A_2, %add3A_47 : i32
    %run_scoped3A_49 = arith.constant 1 : i32
    "tpu.region"() ({
      %run_scoped3A_89 = tpu.sem_alloc : memref<!tpu.dma_semaphore, #tpu.memory_space<semaphore_mem>>
      %dma_start3A_90 = arith.constant 0 : i32
      %dma_start3A_91 = tpu.memref_slice %arg3[%run_scoped3A_49, %add3A_48, %dma_start3A_90] : memref<2x2560x128xi32, #tpu.memory_space<hbm>> -> memref<1x40x128xi32, #tpu.memory_space<hbm>>
      %dma_start3A_92 = tpu.memref_squeeze %dma_start3A_91 : memref<1x40x128xi32, #tpu.memory_space<hbm>> -> memref<40x128xi32, #tpu.memory_space<hbm>>
      %dma_start3A_93 = arith.constant 0 : i32
      %dma_start3A_94 = tpu.memref_slice %arg3[%run_scoped3A_49, %add3A_48, %dma_start3A_93] : memref<2x2560x128xi32, #tpu.memory_space<hbm>> -> memref<1x40x128xi32, #tpu.memory_space<hbm>>
      %dma_start3A_95 = tpu.memref_squeeze %dma_start3A_94 : memref<1x40x128xi32, #tpu.memory_space<hbm>> -> memref<40x128xi32, #tpu.memory_space<hbm>>
      tpu.enqueue_dma source(%dma_start3A_95 : memref<40x128xi32, #tpu.memory_space<hbm>>) target(%arg7 : memref<40x128xi32, #tpu.memory_space<vmem>>) target_semaphore(%run_scoped3A_89 : memref<!tpu.dma_semaphore, #tpu.memory_space<semaphore_mem>>)
      %dma_wait3A = arith.constant 0 : i32
      %dma_wait3A_96 = tpu.memref_slice %arg3[%run_scoped3A_49, %add3A_48, %dma_wait3A] : memref<2x2560x128xi32, #tpu.memory_space<hbm>> -> memref<1x40x128xi32, #tpu.memory_space<hbm>>
      %dma_wait3A_97 = tpu.memref_squeeze %dma_wait3A_96 : memref<1x40x128xi32, #tpu.memory_space<hbm>> -> memref<40x128xi32, #tpu.memory_space<hbm>>
      %dma_wait3A_98 = arith.constant 0 : i32
      %dma_wait3A_99 = tpu.memref_slice %arg3[%run_scoped3A_49, %add3A_48, %dma_wait3A_98] : memref<2x2560x128xi32, #tpu.memory_space<hbm>> -> memref<1x40x128xi32, #tpu.memory_space<hbm>>
      %dma_wait3A_100 = tpu.memref_squeeze %dma_wait3A_99 : memref<1x40x128xi32, #tpu.memory_space<hbm>> -> memref<40x128xi32, #tpu.memory_space<hbm>>
      tpu.wait_dma2 semaphore(%run_scoped3A_89 : memref<!tpu.dma_semaphore, #tpu.memory_space<semaphore_mem>>) src(%dma_wait3A_100 : memref<40x128xi32, #tpu.memory_space<hbm>>) dst(%arg7 : memref<40x128xi32, #tpu.memory_space<vmem>>)
      tpu.yield
    }) : () -> ()
    %dma_start3A_50 = arith.constant 0 : i32
    %dma_start3A_51 = arith.constant 0 : i32
    %dma_start3A_52 = arith.constant 0 : i32
    %dma_start3A_53 = arith.constant 0 : i32
    %dma_start3A_54 = arith.constant 0 : i32
    %dma_start3A_55 = tpu.memref_slice %arg8[%dma_start3A_51, %dma_start3A_53, %dma_start3A_54] : memref<2x128x128xf32, #tpu.memory_space<vmem>> -> memref<1x128x128xf32, #tpu.memory_space<vmem>>
    %dma_start3A_56 = tpu.memref_squeeze %dma_start3A_55 : memref<1x128x128xf32, #tpu.memory_space<vmem>> -> memref<128x128xf32, #tpu.memory_space<vmem>>
    %dma_start3A_57 = arith.constant 0 : i32
    %dma_start3A_58 = tpu.memref_slice %arg6[%dma_start3A_50, %dma_start3A_57] : memref<40x128xi32, #tpu.memory_space<vmem>> -> memref<1x128xi32, #tpu.memory_space<vmem>>
    %dma_start3A_59 = tpu.memref_squeeze %dma_start3A_58 : memref<1x128xi32, #tpu.memory_space<vmem>> -> memref<128xi32, #tpu.memory_space<vmem>>
    %dma_start3A_60 = arith.constant 0 : i32
    %dma_start3A_61 = arith.constant 0 : i32
    %dma_start3A_62 = tpu.memref_slice %arg2[%dma_start3A_60, %dma_start3A_61] : memref<10240x128xf32, #tpu.memory_space<hbm>> -> memref<10240x128xf32, #tpu.memory_space<hbm>>
    %dma_start3A_63 = tpu.memref_slice %arg10[%dma_start3A_52] : memref<2x!tpu.dma_semaphore, #tpu.memory_space<semaphore_mem>> -> memref<1x!tpu.dma_semaphore, #tpu.memory_space<semaphore_mem>>
    %dma_start3A_64 = tpu.memref_squeeze %dma_start3A_63 : memref<1x!tpu.dma_semaphore, #tpu.memory_space<semaphore_mem>> -> memref<!tpu.dma_semaphore, #tpu.memory_space<semaphore_mem>>
    tpu.enqueue_indirect_dma source(%dma_start3A_62 : memref<10240x128xf32, #tpu.memory_space<hbm>>) target(%dma_start3A_56 : memref<128x128xf32, #tpu.memory_space<vmem>>) offsets(%dma_start3A_59 : memref<128xi32, #tpu.memory_space<vmem>>) semaphore(%dma_start3A_64 : memref<!tpu.dma_semaphore, #tpu.memory_space<semaphore_mem>>)
    %dma_start3A_65 = arith.constant 1 : i32
    %dma_start3A_66 = arith.constant 1 : i32
    %dma_start3A_67 = arith.constant 1 : i32
    %dma_start3A_68 = arith.constant 0 : i32
    %dma_start3A_69 = arith.constant 0 : i32
    %dma_start3A_70 = tpu.memref_slice %arg8[%dma_start3A_66, %dma_start3A_68, %dma_start3A_69] : memref<2x128x128xf32, #tpu.memory_space<vmem>> -> memref<1x128x128xf32, #tpu.memory_space<vmem>>
    %dma_start3A_71 = tpu.memref_squeeze %dma_start3A_70 : memref<1x128x128xf32, #tpu.memory_space<vmem>> -> memref<128x128xf32, #tpu.memory_space<vmem>>
    %dma_start3A_72 = arith.constant 0 : i32
    %dma_start3A_73 = tpu.memref_slice %arg6[%dma_start3A_65, %dma_start3A_72] : memref<40x128xi32, #tpu.memory_space<vmem>> -> memref<1x128xi32, #tpu.memory_space<vmem>>
    %dma_start3A_74 = tpu.memref_squeeze %dma_start3A_73 : memref<1x128xi32, #tpu.memory_space<vmem>> -> memref<128xi32, #tpu.memory_space<vmem>>
    %dma_start3A_75 = arith.constant 0 : i32
    %dma_start3A_76 = arith.constant 0 : i32
    %dma_start3A_77 = tpu.memref_slice %arg2[%dma_start3A_75, %dma_start3A_76] : memref<10240x128xf32, #tpu.memory_space<hbm>> -> memref<10240x128xf32, #tpu.memory_space<hbm>>
    %dma_start3A_78 = tpu.memref_slice %arg10[%dma_start3A_67] : memref<2x!tpu.dma_semaphore, #tpu.memory_space<semaphore_mem>> -> memref<1x!tpu.dma_semaphore, #tpu.memory_space<semaphore_mem>>
    %dma_start3A_79 = tpu.memref_squeeze %dma_start3A_78 : memref<1x!tpu.dma_semaphore, #tpu.memory_space<semaphore_mem>> -> memref<!tpu.dma_semaphore, #tpu.memory_space<semaphore_mem>>
    tpu.enqueue_indirect_dma source(%dma_start3A_77 : memref<10240x128xf32, #tpu.memory_space<hbm>>) target(%dma_start3A_71 : memref<128x128xf32, #tpu.memory_space<vmem>>) offsets(%dma_start3A_74 : memref<128xi32, #tpu.memory_space<vmem>>) semaphore(%dma_start3A_79 : memref<!tpu.dma_semaphore, #tpu.memory_space<semaphore_mem>>)
    %scan3A_80 = arith.constant 0 : i32
    %scan3A_81 = arith.constant 0 : i32
    %scan3A_82 = arith.constant 20 : i32
    %scan3A_83 = arith.addi %scan3A_81, %scan3A_82 : i32
    %scan3A_84 = arith.constant 1 : i32
    scf.for %scan3A_89 = %scan3A_81 to %scan3A_83 step %scan3A_84  : i32 {
      %mul3A_90 = arith.constant 2 : i32
      %mul3A_91 = arith.muli %scan3A_89, %mul3A_90 : i32
      %add3A_92 = arith.constant 0 : i32
      %add3A_93 = arith.addi %mul3A_91, %add3A_92 : i32
      %dma_wait3A = arith.constant 0 : i32
      %dma_wait3A_94 = arith.constant 0 : i32
      %dma_wait3A_95 = arith.constant 0 : i32
      %dma_wait3A_96 = arith.constant 0 : i32
      %dma_wait3A_97 = tpu.memref_slice %arg8[%dma_wait3A, %dma_wait3A_95, %dma_wait3A_96] : memref<2x128x128xf32, #tpu.memory_space<vmem>> -> memref<1x128x128xf32, #tpu.memory_space<vmem>>
      %dma_wait3A_98 = tpu.memref_squeeze %dma_wait3A_97 : memref<1x128x128xf32, #tpu.memory_space<vmem>> -> memref<128x128xf32, #tpu.memory_space<vmem>>
      %dma_wait3A_99 = arith.constant 0 : i32
      %dma_wait3A_100 = tpu.memref_slice %arg6[%add3A_93, %dma_wait3A_99] : memref<40x128xi32, #tpu.memory_space<vmem>> -> memref<1x128xi32, #tpu.memory_space<vmem>>
      %dma_wait3A_101 = tpu.memref_squeeze %dma_wait3A_100 : memref<1x128xi32, #tpu.memory_space<vmem>> -> memref<128xi32, #tpu.memory_space<vmem>>
      %dma_wait3A_102 = arith.constant 0 : i32
      %dma_wait3A_103 = arith.constant 0 : i32
      %dma_wait3A_104 = tpu.memref_slice %arg2[%dma_wait3A_102, %dma_wait3A_103] : memref<10240x128xf32, #tpu.memory_space<hbm>> -> memref<10240x128xf32, #tpu.memory_space<hbm>>
      %dma_wait3A_105 = tpu.memref_slice %arg10[%dma_wait3A_94] : memref<2x!tpu.dma_semaphore, #tpu.memory_space<semaphore_mem>> -> memref<1x!tpu.dma_semaphore, #tpu.memory_space<semaphore_mem>>
      %dma_wait3A_106 = tpu.memref_squeeze %dma_wait3A_105 : memref<1x!tpu.dma_semaphore, #tpu.memory_space<semaphore_mem>> -> memref<!tpu.dma_semaphore, #tpu.memory_space<semaphore_mem>>
      tpu.wait_indirect_dma semaphore(%dma_wait3A_106 : memref<!tpu.dma_semaphore, #tpu.memory_space<semaphore_mem>>) src(%dma_wait3A_104 : memref<10240x128xf32, #tpu.memory_space<hbm>>) dst(%dma_wait3A_98 : memref<128x128xf32, #tpu.memory_space<vmem>>)
      %mul3A_107 = arith.constant 2 : i32
      %mul3A_108 = arith.muli %scan3A_89, %mul3A_107 : i32
      %add3A_109 = arith.constant 1 : i32
      %add3A_110 = arith.addi %mul3A_108, %add3A_109 : i32
      %dma_wait3A_111 = arith.constant 1 : i32
      %dma_wait3A_112 = arith.constant 1 : i32
      %dma_wait3A_113 = arith.constant 0 : i32
      %dma_wait3A_114 = arith.constant 0 : i32
      %dma_wait3A_115 = tpu.memref_slice %arg8[%dma_wait3A_111, %dma_wait3A_113, %dma_wait3A_114] : memref<2x128x128xf32, #tpu.memory_space<vmem>> -> memref<1x128x128xf32, #tpu.memory_space<vmem>>
      %dma_wait3A_116 = tpu.memref_squeeze %dma_wait3A_115 : memref<1x128x128xf32, #tpu.memory_space<vmem>> -> memref<128x128xf32, #tpu.memory_space<vmem>>
      %dma_wait3A_117 = arith.constant 0 : i32
      %dma_wait3A_118 = tpu.memref_slice %arg6[%add3A_110, %dma_wait3A_117] : memref<40x128xi32, #tpu.memory_space<vmem>> -> memref<1x128xi32, #tpu.memory_space<vmem>>
      %dma_wait3A_119 = tpu.memref_squeeze %dma_wait3A_118 : memref<1x128xi32, #tpu.memory_space<vmem>> -> memref<128xi32, #tpu.memory_space<vmem>>
      %dma_wait3A_120 = arith.constant 0 : i32
      %dma_wait3A_121 = arith.constant 0 : i32
      %dma_wait3A_122 = tpu.memref_slice %arg2[%dma_wait3A_120, %dma_wait3A_121] : memref<10240x128xf32, #tpu.memory_space<hbm>> -> memref<10240x128xf32, #tpu.memory_space<hbm>>
      %dma_wait3A_123 = tpu.memref_slice %arg10[%dma_wait3A_112] : memref<2x!tpu.dma_semaphore, #tpu.memory_space<semaphore_mem>> -> memref<1x!tpu.dma_semaphore, #tpu.memory_space<semaphore_mem>>
      %dma_wait3A_124 = tpu.memref_squeeze %dma_wait3A_123 : memref<1x!tpu.dma_semaphore, #tpu.memory_space<semaphore_mem>> -> memref<!tpu.dma_semaphore, #tpu.memory_space<semaphore_mem>>
      tpu.wait_indirect_dma semaphore(%dma_wait3A_124 : memref<!tpu.dma_semaphore, #tpu.memory_space<semaphore_mem>>) src(%dma_wait3A_122 : memref<10240x128xf32, #tpu.memory_space<hbm>>) dst(%dma_wait3A_116 : memref<128x128xf32, #tpu.memory_space<vmem>>)
      %mul3A_125 = arith.constant 2 : i32
      %mul3A_126 = arith.muli %scan3A_89, %mul3A_125 : i32
      %add3A_127 = arith.constant 0 : i32
      %add3A_128 = arith.addi %mul3A_126, %add3A_127 : i32
      %add3A_129 = arith.constant 2 : i32
      %add3A_130 = arith.addi %add3A_128, %add3A_129 : i32
      %lt3A = arith.constant 40 : i32
      %lt3A_131 = arith.cmpi slt, %add3A_130, %lt3A : i32
      %convert_element_type3A = arith.extui %lt3A_131 : i1 to i32
      %cond3A = arith.constant 0 : i32
      %cond3A_132 = arith.cmpi ne, %convert_element_type3A, %cond3A : i32
      scf.if %cond3A_132 {
        %add3A_144 = arith.constant 2 : i32
        %add3A_145 = arith.addi %add3A_128, %add3A_144 : i32
        %dma_start3A_146 = arith.constant 0 : i32
        %dma_start3A_147 = arith.constant 0 : i32
        %dma_start3A_148 = arith.constant 0 : i32
        %dma_start3A_149 = arith.constant 0 : i32
        %dma_start3A_150 = tpu.memref_slice %arg8[%dma_start3A_146, %dma_start3A_148, %dma_start3A_149] : memref<2x128x128xf32, #tpu.memory_space<vmem>> -> memref<1x128x128xf32, #tpu.memory_space<vmem>>
        %dma_start3A_151 = tpu.memref_squeeze %dma_start3A_150 : memref<1x128x128xf32, #tpu.memory_space<vmem>> -> memref<128x128xf32, #tpu.memory_space<vmem>>
        %dma_start3A_152 = arith.constant 0 : i32
        %dma_start3A_153 = tpu.memref_slice %arg6[%add3A_145, %dma_start3A_152] : memref<40x128xi32, #tpu.memory_space<vmem>> -> memref<1x128xi32, #tpu.memory_space<vmem>>
        %dma_start3A_154 = tpu.memref_squeeze %dma_start3A_153 : memref<1x128xi32, #tpu.memory_space<vmem>> -> memref<128xi32, #tpu.memory_space<vmem>>
        %dma_start3A_155 = arith.constant 0 : i32
        %dma_start3A_156 = arith.constant 0 : i32
        %dma_start3A_157 = tpu.memref_slice %arg2[%dma_start3A_155, %dma_start3A_156] : memref<10240x128xf32, #tpu.memory_space<hbm>> -> memref<10240x128xf32, #tpu.memory_space<hbm>>
        %dma_start3A_158 = tpu.memref_slice %arg10[%dma_start3A_147] : memref<2x!tpu.dma_semaphore, #tpu.memory_space<semaphore_mem>> -> memref<1x!tpu.dma_semaphore, #tpu.memory_space<semaphore_mem>>
        %dma_start3A_159 = tpu.memref_squeeze %dma_start3A_158 : memref<1x!tpu.dma_semaphore, #tpu.memory_space<semaphore_mem>> -> memref<!tpu.dma_semaphore, #tpu.memory_space<semaphore_mem>>
        tpu.enqueue_indirect_dma source(%dma_start3A_157 : memref<10240x128xf32, #tpu.memory_space<hbm>>) target(%dma_start3A_151 : memref<128x128xf32, #tpu.memory_space<vmem>>) offsets(%dma_start3A_154 : memref<128xi32, #tpu.memory_space<vmem>>) semaphore(%dma_start3A_159 : memref<!tpu.dma_semaphore, #tpu.memory_space<semaphore_mem>>)
      } else {
      }
      %mul3A_133 = arith.constant 2 : i32
      %mul3A_134 = arith.muli %scan3A_89, %mul3A_133 : i32
      %add3A_135 = arith.constant 1 : i32
      %add3A_136 = arith.addi %mul3A_134, %add3A_135 : i32
      %add3A_137 = arith.constant 2 : i32
      %add3A_138 = arith.addi %add3A_136, %add3A_137 : i32
      %lt3A_139 = arith.constant 40 : i32
      %lt3A_140 = arith.cmpi slt, %add3A_138, %lt3A_139 : i32
      %convert_element_type3A_141 = arith.extui %lt3A_140 : i1 to i32
      %cond3A_142 = arith.constant 0 : i32
      %cond3A_143 = arith.cmpi ne, %convert_element_type3A_141, %cond3A_142 : i32
      scf.if %cond3A_143 {
        %add3A_144 = arith.constant 2 : i32
        %add3A_145 = arith.addi %add3A_136, %add3A_144 : i32
        %dma_start3A_146 = arith.constant 1 : i32
        %dma_start3A_147 = arith.constant 1 : i32
        %dma_start3A_148 = arith.constant 0 : i32
        %dma_start3A_149 = arith.constant 0 : i32
        %dma_start3A_150 = tpu.memref_slice %arg8[%dma_start3A_146, %dma_start3A_148, %dma_start3A_149] : memref<2x128x128xf32, #tpu.memory_space<vmem>> -> memref<1x128x128xf32, #tpu.memory_space<vmem>>
        %dma_start3A_151 = tpu.memref_squeeze %dma_start3A_150 : memref<1x128x128xf32, #tpu.memory_space<vmem>> -> memref<128x128xf32, #tpu.memory_space<vmem>>
        %dma_start3A_152 = arith.constant 0 : i32
        %dma_start3A_153 = tpu.memref_slice %arg6[%add3A_145, %dma_start3A_152] : memref<40x128xi32, #tpu.memory_space<vmem>> -> memref<1x128xi32, #tpu.memory_space<vmem>>
        %dma_start3A_154 = tpu.memref_squeeze %dma_start3A_153 : memref<1x128xi32, #tpu.memory_space<vmem>> -> memref<128xi32, #tpu.memory_space<vmem>>
        %dma_start3A_155 = arith.constant 0 : i32
        %dma_start3A_156 = arith.constant 0 : i32
        %dma_start3A_157 = tpu.memref_slice %arg2[%dma_start3A_155, %dma_start3A_156] : memref<10240x128xf32, #tpu.memory_space<hbm>> -> memref<10240x128xf32, #tpu.memory_space<hbm>>
        %dma_start3A_158 = tpu.memref_slice %arg10[%dma_start3A_147] : memref<2x!tpu.dma_semaphore, #tpu.memory_space<semaphore_mem>> -> memref<1x!tpu.dma_semaphore, #tpu.memory_space<semaphore_mem>>
        %dma_start3A_159 = tpu.memref_squeeze %dma_start3A_158 : memref<1x!tpu.dma_semaphore, #tpu.memory_space<semaphore_mem>> -> memref<!tpu.dma_semaphore, #tpu.memory_space<semaphore_mem>>
        tpu.enqueue_indirect_dma source(%dma_start3A_157 : memref<10240x128xf32, #tpu.memory_space<hbm>>) target(%dma_start3A_151 : memref<128x128xf32, #tpu.memory_space<vmem>>) offsets(%dma_start3A_154 : memref<128xi32, #tpu.memory_space<vmem>>) semaphore(%dma_start3A_159 : memref<!tpu.dma_semaphore, #tpu.memory_space<semaphore_mem>>)
      } else {
      }
    }
    %scan3A_85 = arith.constant 20 : i32
    %barrier3A_86 = arith.constant 0 : index
    tpu.barrier barrier_id(%barrier3A_86)
    %mul3A_87 = arith.constant 640 : i32
    %mul3A_88 = arith.muli %arg1, %mul3A_87 : i32
    "tpu.region"() ({
      %run_scoped3A_89 = tpu.sem_alloc : memref<!tpu.dma_semaphore, #tpu.memory_space<semaphore_mem>>
      %dma_start3A_90 = arith.constant 0 : i32
      %dma_start3A_91 = tpu.memref_slice %arg5[%arg0, %mul3A_88, %dma_start3A_90] : memref<2x10240x128xf32, #tpu.memory_space<hbm>> -> memref<1x640x128xf32, #tpu.memory_space<hbm>>
      %dma_start3A_92 = tpu.memref_squeeze %dma_start3A_91 : memref<1x640x128xf32, #tpu.memory_space<hbm>> -> memref<640x128xf32, #tpu.memory_space<hbm>>
      %dma_start3A_93 = arith.constant 0 : i32
      %dma_start3A_94 = tpu.memref_slice %arg9[%mul3A_88, %dma_start3A_93] : memref<10240x128xf32, #tpu.memory_space<vmem_shared>> -> memref<640x128xf32, #tpu.memory_space<vmem_shared>>
      tpu.enqueue_dma source(%dma_start3A_94 : memref<640x128xf32, #tpu.memory_space<vmem_shared>>) target(%dma_start3A_92 : memref<640x128xf32, #tpu.memory_space<hbm>>) target_semaphore(%run_scoped3A_89 : memref<!tpu.dma_semaphore, #tpu.memory_space<semaphore_mem>>)
      %dma_wait3A = arith.constant 0 : i32
      %dma_wait3A_95 = tpu.memref_slice %arg5[%arg0, %mul3A_88, %dma_wait3A] : memref<2x10240x128xf32, #tpu.memory_space<hbm>> -> memref<1x640x128xf32, #tpu.memory_space<hbm>>
      %dma_wait3A_96 = tpu.memref_squeeze %dma_wait3A_95 : memref<1x640x128xf32, #tpu.memory_space<hbm>> -> memref<640x128xf32, #tpu.memory_space<hbm>>
      %dma_wait3A_97 = arith.constant 0 : i32
      %dma_wait3A_98 = tpu.memref_slice %arg9[%mul3A_88, %dma_wait3A_97] : memref<10240x128xf32, #tpu.memory_space<vmem_shared>> -> memref<640x128xf32, #tpu.memory_space<vmem_shared>>
      tpu.wait_dma2 semaphore(%run_scoped3A_89 : memref<!tpu.dma_semaphore, #tpu.memory_space<semaphore_mem>>) src(%dma_wait3A_98 : memref<640x128xf32, #tpu.memory_space<vmem_shared>>) dst(%dma_wait3A_96 : memref<640x128xf32, #tpu.memory_space<hbm>>)
      tpu.yield
    }) : () -> ()
    return
  }
}

#map = affine_map<(d0, d1) -> (0, 0, 0)>
#map1 = affine_map<(d0, d1) -> (0)>
#map2 = affine_map<(d0, d1) -> (0, 0)>
module attributes {stable_mosaic.version = 14 : i64} {
  func.func @_deg_body(%arg0: i32, %arg1: i32, %arg2: memref<2x2560x128xi32, #tpu.memory_space<hbm>>, %arg3: memref<128xf32, #tpu.memory_space<hbm>>, %arg4: memref<640xf32, #tpu.memory_space<hbm>>, %arg5: memref<2x10240xf32, #tpu.memory_space<hbm>>, %arg6: memref<80x128xi32, #tpu.memory_space<vmem>>, %arg7: memref<128xf32, #tpu.memory_space<vmem>>, %arg8: memref<10240xf32, #tpu.memory_space<vmem_shared>>, %arg9: memref<!tpu.dma_semaphore, #tpu.memory_space<semaphore_mem>>) attributes {dimension_semantics = [#tpu.dimension_semantics<core_parallel>, #tpu.dimension_semantics<subcore_parallel>], iteration_bounds = array<i64: 2, 16>, scalar_prefetch = 0 : i64, scratch_operands = 4 : i64, tpu.core_type = #tpu.core_type<sc_vector_subcore>, window_params = [{transform_indices = #map}, {transform_indices = #map1}, {transform_indices = #map1}, {transform_indices = #map2}]} {
    %mul3A = arith.constant 2 : i32
    %mul3A_0 = arith.muli %arg1, %mul3A : i32
    %add3A = arith.addi %mul3A_0, %arg0 : i32
    %mul3A_1 = arith.constant 80 : i32
    %mul3A_2 = arith.muli %add3A, %mul3A_1 : i32
    "tpu.region"() ({
      %run_scoped3A_13 = tpu.sem_alloc : memref<!tpu.dma_semaphore, #tpu.memory_space<semaphore_mem>>
      tpu.enqueue_dma source(%arg3 : memref<128xf32, #tpu.memory_space<hbm>>) target(%arg7 : memref<128xf32, #tpu.memory_space<vmem>>) target_semaphore(%run_scoped3A_13 : memref<!tpu.dma_semaphore, #tpu.memory_space<semaphore_mem>>)
      tpu.wait_dma2 semaphore(%run_scoped3A_13 : memref<!tpu.dma_semaphore, #tpu.memory_space<semaphore_mem>>) src(%arg3 : memref<128xf32, #tpu.memory_space<hbm>>) dst(%arg7 : memref<128xf32, #tpu.memory_space<vmem>>)
      tpu.yield
    }) : () -> ()
    %mul3A_3 = arith.constant 640 : i32
    %mul3A_4 = arith.muli %arg1, %mul3A_3 : i32
    "tpu.region"() ({
      %run_scoped3A_13 = tpu.sem_alloc : memref<!tpu.dma_semaphore, #tpu.memory_space<semaphore_mem>>
      %dma_start3A = tpu.memref_slice %arg8[%mul3A_4] : memref<10240xf32, #tpu.memory_space<vmem_shared>> -> memref<640xf32, #tpu.memory_space<vmem_shared>>
      tpu.enqueue_dma source(%arg4 : memref<640xf32, #tpu.memory_space<hbm>>) target(%dma_start3A : memref<640xf32, #tpu.memory_space<vmem_shared>>) target_semaphore(%run_scoped3A_13 : memref<!tpu.dma_semaphore, #tpu.memory_space<semaphore_mem>>)
      %dma_wait3A = tpu.memref_slice %arg8[%mul3A_4] : memref<10240xf32, #tpu.memory_space<vmem_shared>> -> memref<640xf32, #tpu.memory_space<vmem_shared>>
      tpu.wait_dma2 semaphore(%run_scoped3A_13 : memref<!tpu.dma_semaphore, #tpu.memory_space<semaphore_mem>>) src(%arg4 : memref<640xf32, #tpu.memory_space<hbm>>) dst(%dma_wait3A : memref<640xf32, #tpu.memory_space<vmem_shared>>)
      tpu.yield
    }) : () -> ()
    %run_scoped3A = arith.constant 1 : i32
    "tpu.region"() ({
      %run_scoped3A_13 = tpu.sem_alloc : memref<!tpu.dma_semaphore, #tpu.memory_space<semaphore_mem>>
      %dma_start3A = arith.constant 0 : i32
      %dma_start3A_14 = tpu.memref_slice %arg2[%run_scoped3A, %mul3A_2, %dma_start3A] : memref<2x2560x128xi32, #tpu.memory_space<hbm>> -> memref<1x80x128xi32, #tpu.memory_space<hbm>>
      %dma_start3A_15 = tpu.memref_squeeze %dma_start3A_14 : memref<1x80x128xi32, #tpu.memory_space<hbm>> -> memref<80x128xi32, #tpu.memory_space<hbm>>
      %dma_start3A_16 = arith.constant 0 : i32
      %dma_start3A_17 = tpu.memref_slice %arg2[%run_scoped3A, %mul3A_2, %dma_start3A_16] : memref<2x2560x128xi32, #tpu.memory_space<hbm>> -> memref<1x80x128xi32, #tpu.memory_space<hbm>>
      %dma_start3A_18 = tpu.memref_squeeze %dma_start3A_17 : memref<1x80x128xi32, #tpu.memory_space<hbm>> -> memref<80x128xi32, #tpu.memory_space<hbm>>
      tpu.enqueue_dma source(%dma_start3A_18 : memref<80x128xi32, #tpu.memory_space<hbm>>) target(%arg6 : memref<80x128xi32, #tpu.memory_space<vmem>>) target_semaphore(%run_scoped3A_13 : memref<!tpu.dma_semaphore, #tpu.memory_space<semaphore_mem>>)
      %dma_wait3A = arith.constant 0 : i32
      %dma_wait3A_19 = tpu.memref_slice %arg2[%run_scoped3A, %mul3A_2, %dma_wait3A] : memref<2x2560x128xi32, #tpu.memory_space<hbm>> -> memref<1x80x128xi32, #tpu.memory_space<hbm>>
      %dma_wait3A_20 = tpu.memref_squeeze %dma_wait3A_19 : memref<1x80x128xi32, #tpu.memory_space<hbm>> -> memref<80x128xi32, #tpu.memory_space<hbm>>
      %dma_wait3A_21 = arith.constant 0 : i32
      %dma_wait3A_22 = tpu.memref_slice %arg2[%run_scoped3A, %mul3A_2, %dma_wait3A_21] : memref<2x2560x128xi32, #tpu.memory_space<hbm>> -> memref<1x80x128xi32, #tpu.memory_space<hbm>>
      %dma_wait3A_23 = tpu.memref_squeeze %dma_wait3A_22 : memref<1x80x128xi32, #tpu.memory_space<hbm>> -> memref<80x128xi32, #tpu.memory_space<hbm>>
      tpu.wait_dma2 semaphore(%run_scoped3A_13 : memref<!tpu.dma_semaphore, #tpu.memory_space<semaphore_mem>>) src(%dma_wait3A_23 : memref<80x128xi32, #tpu.memory_space<hbm>>) dst(%arg6 : memref<80x128xi32, #tpu.memory_space<vmem>>)
      tpu.yield
    }) : () -> ()
    %barrier3A = arith.constant 0 : index
    tpu.barrier barrier_id(%barrier3A)
    %scan3A = arith.constant 0 : i32
    %scan3A_5 = arith.constant 0 : i32
    %scan3A_6 = arith.constant 10 : i32
    %scan3A_7 = arith.addi %scan3A_5, %scan3A_6 : i32
    %scan3A_8 = arith.constant 1 : i32
    scf.for %scan3A_13 = %scan3A_5 to %scan3A_7 step %scan3A_8  : i32 {
      %mul3A_14 = arith.constant 8 : i32
      %mul3A_15 = arith.muli %scan3A_13, %mul3A_14 : i32
      %add3A_16 = arith.constant 0 : i32
      %add3A_17 = arith.addi %mul3A_15, %add3A_16 : i32
      %dma_start3A = arith.constant 0 : i32
      %dma_start3A_18 = tpu.memref_slice %arg6[%add3A_17, %dma_start3A] : memref<80x128xi32, #tpu.memory_space<vmem>> -> memref<1x128xi32, #tpu.memory_space<vmem>>
      %dma_start3A_19 = tpu.memref_squeeze %dma_start3A_18 : memref<1x128xi32, #tpu.memory_space<vmem>> -> memref<128xi32, #tpu.memory_space<vmem>>
      %dma_start3A_20 = arith.constant 0 : i32
      %dma_start3A_21 = tpu.memref_slice %arg8[%dma_start3A_20] : memref<10240xf32, #tpu.memory_space<vmem_shared>> -> memref<10240xf32, #tpu.memory_space<vmem_shared>>
      tpu.enqueue_indirect_dma source(%arg7 : memref<128xf32, #tpu.memory_space<vmem>>) target(%dma_start3A_21 : memref<10240xf32, #tpu.memory_space<vmem_shared>>) offsets(%dma_start3A_19 : memref<128xi32, #tpu.memory_space<vmem>>) semaphore(%arg9 : memref<!tpu.dma_semaphore, #tpu.memory_space<semaphore_mem>>) {add = true}
      %mul3A_22 = arith.constant 8 : i32
      %mul3A_23 = arith.muli %scan3A_13, %mul3A_22 : i32
      %add3A_24 = arith.constant 1 : i32
      %add3A_25 = arith.addi %mul3A_23, %add3A_24 : i32
      %dma_start3A_26 = arith.constant 0 : i32
      %dma_start3A_27 = tpu.memref_slice %arg6[%add3A_25, %dma_start3A_26] : memref<80x128xi32, #tpu.memory_space<vmem>> -> memref<1x128xi32, #tpu.memory_space<vmem>>
      %dma_start3A_28 = tpu.memref_squeeze %dma_start3A_27 : memref<1x128xi32, #tpu.memory_space<vmem>> -> memref<128xi32, #tpu.memory_space<vmem>>
      %dma_start3A_29 = arith.constant 0 : i32
      %dma_start3A_30 = tpu.memref_slice %arg8[%dma_start3A_29] : memref<10240xf32, #tpu.memory_space<vmem_shared>> -> memref<10240xf32, #tpu.memory_space<vmem_shared>>
      tpu.enqueue_indirect_dma source(%arg7 : memref<128xf32, #tpu.memory_space<vmem>>) target(%dma_start3A_30 : memref<10240xf32, #tpu.memory_space<vmem_shared>>) offsets(%dma_start3A_28 : memref<128xi32, #tpu.memory_space<vmem>>) semaphore(%arg9 : memref<!tpu.dma_semaphore, #tpu.memory_space<semaphore_mem>>) {add = true}
      %mul3A_31 = arith.constant 8 : i32
      %mul3A_32 = arith.muli %scan3A_13, %mul3A_31 : i32
      %add3A_33 = arith.constant 2 : i32
      %add3A_34 = arith.addi %mul3A_32, %add3A_33 : i32
      %dma_start3A_35 = arith.constant 0 : i32
      %dma_start3A_36 = tpu.memref_slice %arg6[%add3A_34, %dma_start3A_35] : memref<80x128xi32, #tpu.memory_space<vmem>> -> memref<1x128xi32, #tpu.memory_space<vmem>>
      %dma_start3A_37 = tpu.memref_squeeze %dma_start3A_36 : memref<1x128xi32, #tpu.memory_space<vmem>> -> memref<128xi32, #tpu.memory_space<vmem>>
      %dma_start3A_38 = arith.constant 0 : i32
      %dma_start3A_39 = tpu.memref_slice %arg8[%dma_start3A_38] : memref<10240xf32, #tpu.memory_space<vmem_shared>> -> memref<10240xf32, #tpu.memory_space<vmem_shared>>
      tpu.enqueue_indirect_dma source(%arg7 : memref<128xf32, #tpu.memory_space<vmem>>) target(%dma_start3A_39 : memref<10240xf32, #tpu.memory_space<vmem_shared>>) offsets(%dma_start3A_37 : memref<128xi32, #tpu.memory_space<vmem>>) semaphore(%arg9 : memref<!tpu.dma_semaphore, #tpu.memory_space<semaphore_mem>>) {add = true}
      %mul3A_40 = arith.constant 8 : i32
      %mul3A_41 = arith.muli %scan3A_13, %mul3A_40 : i32
      %add3A_42 = arith.constant 3 : i32
      %add3A_43 = arith.addi %mul3A_41, %add3A_42 : i32
      %dma_start3A_44 = arith.constant 0 : i32
      %dma_start3A_45 = tpu.memref_slice %arg6[%add3A_43, %dma_start3A_44] : memref<80x128xi32, #tpu.memory_space<vmem>> -> memref<1x128xi32, #tpu.memory_space<vmem>>
      %dma_start3A_46 = tpu.memref_squeeze %dma_start3A_45 : memref<1x128xi32, #tpu.memory_space<vmem>> -> memref<128xi32, #tpu.memory_space<vmem>>
      %dma_start3A_47 = arith.constant 0 : i32
      %dma_start3A_48 = tpu.memref_slice %arg8[%dma_start3A_47] : memref<10240xf32, #tpu.memory_space<vmem_shared>> -> memref<10240xf32, #tpu.memory_space<vmem_shared>>
      tpu.enqueue_indirect_dma source(%arg7 : memref<128xf32, #tpu.memory_space<vmem>>) target(%dma_start3A_48 : memref<10240xf32, #tpu.memory_space<vmem_shared>>) offsets(%dma_start3A_46 : memref<128xi32, #tpu.memory_space<vmem>>) semaphore(%arg9 : memref<!tpu.dma_semaphore, #tpu.memory_space<semaphore_mem>>) {add = true}
      %mul3A_49 = arith.constant 8 : i32
      %mul3A_50 = arith.muli %scan3A_13, %mul3A_49 : i32
      %add3A_51 = arith.constant 4 : i32
      %add3A_52 = arith.addi %mul3A_50, %add3A_51 : i32
      %dma_start3A_53 = arith.constant 0 : i32
      %dma_start3A_54 = tpu.memref_slice %arg6[%add3A_52, %dma_start3A_53] : memref<80x128xi32, #tpu.memory_space<vmem>> -> memref<1x128xi32, #tpu.memory_space<vmem>>
      %dma_start3A_55 = tpu.memref_squeeze %dma_start3A_54 : memref<1x128xi32, #tpu.memory_space<vmem>> -> memref<128xi32, #tpu.memory_space<vmem>>
      %dma_start3A_56 = arith.constant 0 : i32
      %dma_start3A_57 = tpu.memref_slice %arg8[%dma_start3A_56] : memref<10240xf32, #tpu.memory_space<vmem_shared>> -> memref<10240xf32, #tpu.memory_space<vmem_shared>>
      tpu.enqueue_indirect_dma source(%arg7 : memref<128xf32, #tpu.memory_space<vmem>>) target(%dma_start3A_57 : memref<10240xf32, #tpu.memory_space<vmem_shared>>) offsets(%dma_start3A_55 : memref<128xi32, #tpu.memory_space<vmem>>) semaphore(%arg9 : memref<!tpu.dma_semaphore, #tpu.memory_space<semaphore_mem>>) {add = true}
      %mul3A_58 = arith.constant 8 : i32
      %mul3A_59 = arith.muli %scan3A_13, %mul3A_58 : i32
      %add3A_60 = arith.constant 5 : i32
      %add3A_61 = arith.addi %mul3A_59, %add3A_60 : i32
      %dma_start3A_62 = arith.constant 0 : i32
      %dma_start3A_63 = tpu.memref_slice %arg6[%add3A_61, %dma_start3A_62] : memref<80x128xi32, #tpu.memory_space<vmem>> -> memref<1x128xi32, #tpu.memory_space<vmem>>
      %dma_start3A_64 = tpu.memref_squeeze %dma_start3A_63 : memref<1x128xi32, #tpu.memory_space<vmem>> -> memref<128xi32, #tpu.memory_space<vmem>>
      %dma_start3A_65 = arith.constant 0 : i32
      %dma_start3A_66 = tpu.memref_slice %arg8[%dma_start3A_65] : memref<10240xf32, #tpu.memory_space<vmem_shared>> -> memref<10240xf32, #tpu.memory_space<vmem_shared>>
      tpu.enqueue_indirect_dma source(%arg7 : memref<128xf32, #tpu.memory_space<vmem>>) target(%dma_start3A_66 : memref<10240xf32, #tpu.memory_space<vmem_shared>>) offsets(%dma_start3A_64 : memref<128xi32, #tpu.memory_space<vmem>>) semaphore(%arg9 : memref<!tpu.dma_semaphore, #tpu.memory_space<semaphore_mem>>) {add = true}
      %mul3A_67 = arith.constant 8 : i32
      %mul3A_68 = arith.muli %scan3A_13, %mul3A_67 : i32
      %add3A_69 = arith.constant 6 : i32
      %add3A_70 = arith.addi %mul3A_68, %add3A_69 : i32
      %dma_start3A_71 = arith.constant 0 : i32
      %dma_start3A_72 = tpu.memref_slice %arg6[%add3A_70, %dma_start3A_71] : memref<80x128xi32, #tpu.memory_space<vmem>> -> memref<1x128xi32, #tpu.memory_space<vmem>>
      %dma_start3A_73 = tpu.memref_squeeze %dma_start3A_72 : memref<1x128xi32, #tpu.memory_space<vmem>> -> memref<128xi32, #tpu.memory_space<vmem>>
      %dma_start3A_74 = arith.constant 0 : i32
      %dma_start3A_75 = tpu.memref_slice %arg8[%dma_start3A_74] : memref<10240xf32, #tpu.memory_space<vmem_shared>> -> memref<10240xf32, #tpu.memory_space<vmem_shared>>
      tpu.enqueue_indirect_dma source(%arg7 : memref<128xf32, #tpu.memory_space<vmem>>) target(%dma_start3A_75 : memref<10240xf32, #tpu.memory_space<vmem_shared>>) offsets(%dma_start3A_73 : memref<128xi32, #tpu.memory_space<vmem>>) semaphore(%arg9 : memref<!tpu.dma_semaphore, #tpu.memory_space<semaphore_mem>>) {add = true}
      %mul3A_76 = arith.constant 8 : i32
      %mul3A_77 = arith.muli %scan3A_13, %mul3A_76 : i32
      %add3A_78 = arith.constant 7 : i32
      %add3A_79 = arith.addi %mul3A_77, %add3A_78 : i32
      %dma_start3A_80 = arith.constant 0 : i32
      %dma_start3A_81 = tpu.memref_slice %arg6[%add3A_79, %dma_start3A_80] : memref<80x128xi32, #tpu.memory_space<vmem>> -> memref<1x128xi32, #tpu.memory_space<vmem>>
      %dma_start3A_82 = tpu.memref_squeeze %dma_start3A_81 : memref<1x128xi32, #tpu.memory_space<vmem>> -> memref<128xi32, #tpu.memory_space<vmem>>
      %dma_start3A_83 = arith.constant 0 : i32
      %dma_start3A_84 = tpu.memref_slice %arg8[%dma_start3A_83] : memref<10240xf32, #tpu.memory_space<vmem_shared>> -> memref<10240xf32, #tpu.memory_space<vmem_shared>>
      tpu.enqueue_indirect_dma source(%arg7 : memref<128xf32, #tpu.memory_space<vmem>>) target(%dma_start3A_84 : memref<10240xf32, #tpu.memory_space<vmem_shared>>) offsets(%dma_start3A_82 : memref<128xi32, #tpu.memory_space<vmem>>) semaphore(%arg9 : memref<!tpu.dma_semaphore, #tpu.memory_space<semaphore_mem>>) {add = true}
      %dma_wait3A = arith.constant 0 : i32
      %dma_wait3A_85 = arith.constant 0 : i32
      %dma_wait3A_86 = tpu.memref_slice %arg6[%dma_wait3A, %dma_wait3A_85] : memref<80x128xi32, #tpu.memory_space<vmem>> -> memref<1x128xi32, #tpu.memory_space<vmem>>
      %dma_wait3A_87 = tpu.memref_squeeze %dma_wait3A_86 : memref<1x128xi32, #tpu.memory_space<vmem>> -> memref<128xi32, #tpu.memory_space<vmem>>
      %dma_wait3A_88 = arith.constant 0 : i32
      %dma_wait3A_89 = tpu.memref_slice %arg8[%dma_wait3A_88] : memref<10240xf32, #tpu.memory_space<vmem_shared>> -> memref<10240xf32, #tpu.memory_space<vmem_shared>>
      tpu.wait_indirect_dma semaphore(%arg9 : memref<!tpu.dma_semaphore, #tpu.memory_space<semaphore_mem>>) src(%arg7 : memref<128xf32, #tpu.memory_space<vmem>>) dst(%dma_wait3A_89 : memref<10240xf32, #tpu.memory_space<vmem_shared>>)
      %dma_wait3A_90 = arith.constant 0 : i32
      %dma_wait3A_91 = arith.constant 0 : i32
      %dma_wait3A_92 = tpu.memref_slice %arg6[%dma_wait3A_90, %dma_wait3A_91] : memref<80x128xi32, #tpu.memory_space<vmem>> -> memref<1x128xi32, #tpu.memory_space<vmem>>
      %dma_wait3A_93 = tpu.memref_squeeze %dma_wait3A_92 : memref<1x128xi32, #tpu.memory_space<vmem>> -> memref<128xi32, #tpu.memory_space<vmem>>
      %dma_wait3A_94 = arith.constant 0 : i32
      %dma_wait3A_95 = tpu.memref_slice %arg8[%dma_wait3A_94] : memref<10240xf32, #tpu.memory_space<vmem_shared>> -> memref<10240xf32, #tpu.memory_space<vmem_shared>>
      tpu.wait_indirect_dma semaphore(%arg9 : memref<!tpu.dma_semaphore, #tpu.memory_space<semaphore_mem>>) src(%arg7 : memref<128xf32, #tpu.memory_space<vmem>>) dst(%dma_wait3A_95 : memref<10240xf32, #tpu.memory_space<vmem_shared>>)
      %dma_wait3A_96 = arith.constant 0 : i32
      %dma_wait3A_97 = arith.constant 0 : i32
      %dma_wait3A_98 = tpu.memref_slice %arg6[%dma_wait3A_96, %dma_wait3A_97] : memref<80x128xi32, #tpu.memory_space<vmem>> -> memref<1x128xi32, #tpu.memory_space<vmem>>
      %dma_wait3A_99 = tpu.memref_squeeze %dma_wait3A_98 : memref<1x128xi32, #tpu.memory_space<vmem>> -> memref<128xi32, #tpu.memory_space<vmem>>
      %dma_wait3A_100 = arith.constant 0 : i32
      %dma_wait3A_101 = tpu.memref_slice %arg8[%dma_wait3A_100] : memref<10240xf32, #tpu.memory_space<vmem_shared>> -> memref<10240xf32, #tpu.memory_space<vmem_shared>>
      tpu.wait_indirect_dma semaphore(%arg9 : memref<!tpu.dma_semaphore, #tpu.memory_space<semaphore_mem>>) src(%arg7 : memref<128xf32, #tpu.memory_space<vmem>>) dst(%dma_wait3A_101 : memref<10240xf32, #tpu.memory_space<vmem_shared>>)
      %dma_wait3A_102 = arith.constant 0 : i32
      %dma_wait3A_103 = arith.constant 0 : i32
      %dma_wait3A_104 = tpu.memref_slice %arg6[%dma_wait3A_102, %dma_wait3A_103] : memref<80x128xi32, #tpu.memory_space<vmem>> -> memref<1x128xi32, #tpu.memory_space<vmem>>
      %dma_wait3A_105 = tpu.memref_squeeze %dma_wait3A_104 : memref<1x128xi32, #tpu.memory_space<vmem>> -> memref<128xi32, #tpu.memory_space<vmem>>
      %dma_wait3A_106 = arith.constant 0 : i32
      %dma_wait3A_107 = tpu.memref_slice %arg8[%dma_wait3A_106] : memref<10240xf32, #tpu.memory_space<vmem_shared>> -> memref<10240xf32, #tpu.memory_space<vmem_shared>>
      tpu.wait_indirect_dma semaphore(%arg9 : memref<!tpu.dma_semaphore, #tpu.memory_space<semaphore_mem>>) src(%arg7 : memref<128xf32, #tpu.memory_space<vmem>>) dst(%dma_wait3A_107 : memref<10240xf32, #tpu.memory_space<vmem_shared>>)
      %dma_wait3A_108 = arith.constant 0 : i32
      %dma_wait3A_109 = arith.constant 0 : i32
      %dma_wait3A_110 = tpu.memref_slice %arg6[%dma_wait3A_108, %dma_wait3A_109] : memref<80x128xi32, #tpu.memory_space<vmem>> -> memref<1x128xi32, #tpu.memory_space<vmem>>
      %dma_wait3A_111 = tpu.memref_squeeze %dma_wait3A_110 : memref<1x128xi32, #tpu.memory_space<vmem>> -> memref<128xi32, #tpu.memory_space<vmem>>
      %dma_wait3A_112 = arith.constant 0 : i32
      %dma_wait3A_113 = tpu.memref_slice %arg8[%dma_wait3A_112] : memref<10240xf32, #tpu.memory_space<vmem_shared>> -> memref<10240xf32, #tpu.memory_space<vmem_shared>>
      tpu.wait_indirect_dma semaphore(%arg9 : memref<!tpu.dma_semaphore, #tpu.memory_space<semaphore_mem>>) src(%arg7 : memref<128xf32, #tpu.memory_space<vmem>>) dst(%dma_wait3A_113 : memref<10240xf32, #tpu.memory_space<vmem_shared>>)
      %dma_wait3A_114 = arith.constant 0 : i32
      %dma_wait3A_115 = arith.constant 0 : i32
      %dma_wait3A_116 = tpu.memref_slice %arg6[%dma_wait3A_114, %dma_wait3A_115] : memref<80x128xi32, #tpu.memory_space<vmem>> -> memref<1x128xi32, #tpu.memory_space<vmem>>
      %dma_wait3A_117 = tpu.memref_squeeze %dma_wait3A_116 : memref<1x128xi32, #tpu.memory_space<vmem>> -> memref<128xi32, #tpu.memory_space<vmem>>
      %dma_wait3A_118 = arith.constant 0 : i32
      %dma_wait3A_119 = tpu.memref_slice %arg8[%dma_wait3A_118] : memref<10240xf32, #tpu.memory_space<vmem_shared>> -> memref<10240xf32, #tpu.memory_space<vmem_shared>>
      tpu.wait_indirect_dma semaphore(%arg9 : memref<!tpu.dma_semaphore, #tpu.memory_space<semaphore_mem>>) src(%arg7 : memref<128xf32, #tpu.memory_space<vmem>>) dst(%dma_wait3A_119 : memref<10240xf32, #tpu.memory_space<vmem_shared>>)
      %dma_wait3A_120 = arith.constant 0 : i32
      %dma_wait3A_121 = arith.constant 0 : i32
      %dma_wait3A_122 = tpu.memref_slice %arg6[%dma_wait3A_120, %dma_wait3A_121] : memref<80x128xi32, #tpu.memory_space<vmem>> -> memref<1x128xi32, #tpu.memory_space<vmem>>
      %dma_wait3A_123 = tpu.memref_squeeze %dma_wait3A_122 : memref<1x128xi32, #tpu.memory_space<vmem>> -> memref<128xi32, #tpu.memory_space<vmem>>
      %dma_wait3A_124 = arith.constant 0 : i32
      %dma_wait3A_125 = tpu.memref_slice %arg8[%dma_wait3A_124] : memref<10240xf32, #tpu.memory_space<vmem_shared>> -> memref<10240xf32, #tpu.memory_space<vmem_shared>>
      tpu.wait_indirect_dma semaphore(%arg9 : memref<!tpu.dma_semaphore, #tpu.memory_space<semaphore_mem>>) src(%arg7 : memref<128xf32, #tpu.memory_space<vmem>>) dst(%dma_wait3A_125 : memref<10240xf32, #tpu.memory_space<vmem_shared>>)
      %dma_wait3A_126 = arith.constant 0 : i32
      %dma_wait3A_127 = arith.constant 0 : i32
      %dma_wait3A_128 = tpu.memref_slice %arg6[%dma_wait3A_126, %dma_wait3A_127] : memref<80x128xi32, #tpu.memory_space<vmem>> -> memref<1x128xi32, #tpu.memory_space<vmem>>
      %dma_wait3A_129 = tpu.memref_squeeze %dma_wait3A_128 : memref<1x128xi32, #tpu.memory_space<vmem>> -> memref<128xi32, #tpu.memory_space<vmem>>
      %dma_wait3A_130 = arith.constant 0 : i32
      %dma_wait3A_131 = tpu.memref_slice %arg8[%dma_wait3A_130] : memref<10240xf32, #tpu.memory_space<vmem_shared>> -> memref<10240xf32, #tpu.memory_space<vmem_shared>>
      tpu.wait_indirect_dma semaphore(%arg9 : memref<!tpu.dma_semaphore, #tpu.memory_space<semaphore_mem>>) src(%arg7 : memref<128xf32, #tpu.memory_space<vmem>>) dst(%dma_wait3A_131 : memref<10240xf32, #tpu.memory_space<vmem_shared>>)
    }
    %scan3A_9 = arith.constant 10 : i32
    %barrier3A_10 = arith.constant 0 : index
    tpu.barrier barrier_id(%barrier3A_10)
    %mul3A_11 = arith.constant 640 : i32
    %mul3A_12 = arith.muli %arg1, %mul3A_11 : i32
    "tpu.region"() ({
      %run_scoped3A_13 = tpu.sem_alloc : memref<!tpu.dma_semaphore, #tpu.memory_space<semaphore_mem>>
      %dma_start3A = tpu.memref_slice %arg5[%arg0, %mul3A_12] : memref<2x10240xf32, #tpu.memory_space<hbm>> -> memref<1x640xf32, #tpu.memory_space<hbm>>
      %dma_start3A_14 = tpu.memref_squeeze %dma_start3A : memref<1x640xf32, #tpu.memory_space<hbm>> -> memref<640xf32, #tpu.memory_space<hbm>>
      %dma_start3A_15 = tpu.memref_slice %arg8[%mul3A_12] : memref<10240xf32, #tpu.memory_space<vmem_shared>> -> memref<640xf32, #tpu.memory_space<vmem_shared>>
      tpu.enqueue_dma source(%dma_start3A_15 : memref<640xf32, #tpu.memory_space<vmem_shared>>) target(%dma_start3A_14 : memref<640xf32, #tpu.memory_space<hbm>>) target_semaphore(%run_scoped3A_13 : memref<!tpu.dma_semaphore, #tpu.memory_space<semaphore_mem>>)
      %dma_wait3A = tpu.memref_slice %arg5[%arg0, %mul3A_12] : memref<2x10240xf32, #tpu.memory_space<hbm>> -> memref<1x640xf32, #tpu.memory_space<hbm>>
      %dma_wait3A_16 = tpu.memref_squeeze %dma_wait3A : memref<1x640xf32, #tpu.memory_space<hbm>> -> memref<640xf32, #tpu.memory_space<hbm>>
      %dma_wait3A_17 = tpu.memref_slice %arg8[%mul3A_12] : memref<10240xf32, #tpu.memory_space<vmem_shared>> -> memref<640xf32, #tpu.memory_space<vmem_shared>>
      tpu.wait_dma2 semaphore(%run_scoped3A_13 : memref<!tpu.dma_semaphore, #tpu.memory_space<semaphore_mem>>) src(%dma_wait3A_17 : memref<640xf32, #tpu.memory_space<vmem_shared>>) dst(%dma_wait3A_16 : memref<640xf32, #tpu.memory_space<hbm>>)
      tpu.yield
    }) : () -> ()
    return
  }
}

module attributes {stable_mosaic.version = 14 : i64} {
  func.func @_k1_body(%arg0: i32, %arg1: memref<1024x128xf32, #tpu.memory_space<vmem>>, %arg2: memref<128x128xf32, #tpu.memory_space<vmem>>, %arg3: memref<1024x1xf32, #tpu.memory_space<vmem>>, %arg4: memref<1024x128xf32, #tpu.memory_space<vmem>>) attributes {dimension_semantics = [#tpu.dimension_semantics<arbitrary>], iteration_bounds = array<i64: 10>, scalar_prefetch = 0 : i64, scratch_operands = 0 : i64, tpu.core_type = #tpu.core_type<tc>, window_params = [{transform_indices = @transform_0, window_bounds = array<i64: 1024, 128>}, {pipeline_mode = #tpu.pipeline_mode<synchronous>, transform_indices = @transform_1, window_bounds = array<i64: 128, 128>}, {transform_indices = @transform_2, window_bounds = array<i64: 1024, 1>}, {transform_indices = @transform_3, window_bounds = array<i64: 1024, 128>}]} {
    %get3A = arith.constant 0 : index
    %get3A_0 = arith.constant 0 : index
    %get3A_1 = vector.load %arg1[%get3A, %get3A_0] : memref<1024x128xf32, #tpu.memory_space<vmem>>, vector<1024x128xf32>
    %get3A_2 = arith.constant 0 : index
    %get3A_3 = arith.constant 0 : index
    %get3A_4 = vector.load %arg2[%get3A_2, %get3A_3] : memref<128x128xf32, #tpu.memory_space<vmem>>, vector<128x128xf32>
    %dot_general3A = arith.constant dense<0.000000e+00> : vector<1024x128xf32>
    %dot_general3A_5 = tpu.matmul %get3A_1, %get3A_4, %dot_general3A {dimension_numbers = #tpu.dot_dimension_numbers<[1], [0], [0], [1], [0, 0, 1, 1], [], []>, transpose_lhs_hint = false} : vector<1024x128xf32>, vector<128x128xf32>, vector<1024x128xf32> -> vector<1024x128xf32>
    %get3A_6 = arith.constant 0 : index
    %get3A_7 = arith.constant 0 : index
    %get3A_8 = vector.load %arg3[%get3A_6, %get3A_7] : memref<1024x1xf32, #tpu.memory_space<vmem>>, vector<1024x1xf32>
    %mul3A = vector.broadcast %get3A_8 : vector<1024x1xf32> to vector<1024x128xf32>
    %mul3A_9 = arith.mulf %dot_general3A_5, %mul3A : vector<1024x128xf32>
    %swap3A = arith.constant 0 : index
    %swap3A_10 = arith.constant 0 : index
    %swap3A_11 = vector.load %arg4[%swap3A, %swap3A_10] : memref<1024x128xf32, #tpu.memory_space<vmem>>, vector<1024x128xf32>
    tpu.vector_store %arg4[%swap3A, %swap3A_10], %mul3A_9 {strides = array<i32>} : memref<1024x128xf32, #tpu.memory_space<vmem>>, vector<1024x128xf32>,
    return
  }
  func.func @transform_0(%arg0: i32) -> (i32, i32) {
    %c0_i32 = arith.constant 0 : i32
    %c0_i32_0 = arith.constant 0 : i32
    return %arg0, %c0_i32 : i32, i32
  }
  func.func @transform_1(%arg0: i32) -> (i32, i32) {
    %c0_i32 = arith.constant 0 : i32
    %c0_i32_0 = arith.constant 0 : i32
    %c0_i32_1 = arith.constant 0 : i32
    return %c0_i32, %c0_i32_0 : i32, i32
  }
  func.func @transform_2(%arg0: i32) -> (i32, i32) {
    %c0_i32 = arith.constant 0 : i32
    %c0_i32_0 = arith.constant 0 : i32
    return %arg0, %c0_i32 : i32, i32
  }
  func.func @transform_3(%arg0: i32) -> (i32, i32) {
    %c0_i32 = arith.constant 0 : i32
    %c0_i32_0 = arith.constant 0 : i32
    return %arg0, %c0_i32 : i32, i32
  }
}

module attributes {stable_mosaic.version = 14 : i64} {
  func.func @_k3_body(%arg0: i32, %arg1: memref<2x1024x128xf32, #tpu.memory_space<vmem>>, %arg2: memref<1024x128xf32, #tpu.memory_space<vmem>>, %arg3: memref<1024x1xf32, #tpu.memory_space<vmem>>, %arg4: memref<1x128xf32, #tpu.memory_space<vmem>>, %arg5: memref<128x128xf32, #tpu.memory_space<vmem>>, %arg6: memref<1024x128xf32, #tpu.memory_space<vmem>>) attributes {dimension_semantics = [#tpu.dimension_semantics<arbitrary>], iteration_bounds = array<i64: 10>, scalar_prefetch = 0 : i64, scratch_operands = 0 : i64, tpu.core_type = #tpu.core_type<tc>, window_params = [{transform_indices = @transform_0, window_bounds = array<i64: 2, 1024, 128>}, {transform_indices = @transform_1, window_bounds = array<i64: 1024, 128>}, {transform_indices = @transform_2, window_bounds = array<i64: 1024, 1>}, {pipeline_mode = #tpu.pipeline_mode<synchronous>, transform_indices = @transform_3, window_bounds = array<i64: 1, 128>}, {pipeline_mode = #tpu.pipeline_mode<synchronous>, transform_indices = @transform_4, window_bounds = array<i64: 128, 128>}, {transform_indices = @transform_5, window_bounds = array<i64: 1024, 128>}]} {
    %get3A = arith.constant 0 : index
    %get3A_0 = arith.constant 0 : index
    %get3A_1 = arith.constant 0 : index
    %get3A_2 = vector.load %arg1[%get3A, %get3A_0, %get3A_1] : memref<2x1024x128xf32, #tpu.memory_space<vmem>>, vector<1x1024x128xf32>
    %get3A_3 = vector.shape_cast %get3A_2 : vector<1x1024x128xf32> to vector<1024x128xf32>
    %get3A_4 = arith.constant 1 : index
    %get3A_5 = arith.constant 0 : index
    %get3A_6 = arith.constant 0 : index
    %get3A_7 = vector.load %arg1[%get3A_4, %get3A_5, %get3A_6] : memref<2x1024x128xf32, #tpu.memory_space<vmem>>, vector<1x1024x128xf32>
    %get3A_8 = vector.shape_cast %get3A_7 : vector<1x1024x128xf32> to vector<1024x128xf32>
    %add3A = arith.addf %get3A_3, %get3A_8 : vector<1024x128xf32>
    %get3A_9 = arith.constant 0 : index
    %get3A_10 = arith.constant 0 : index
    %get3A_11 = vector.load %arg2[%get3A_9, %get3A_10] : memref<1024x128xf32, #tpu.memory_space<vmem>>, vector<1024x128xf32>
    %add3A_12 = arith.addf %add3A, %get3A_11 : vector<1024x128xf32>
    %get3A_13 = arith.constant 0 : index
    %get3A_14 = arith.constant 0 : index
    %get3A_15 = vector.load %arg3[%get3A_13, %get3A_14] : memref<1024x1xf32, #tpu.memory_space<vmem>>, vector<1024x1xf32>
    %mul3A = vector.broadcast %get3A_15 : vector<1024x1xf32> to vector<1024x128xf32>
    %mul3A_16 = arith.mulf %add3A_12, %mul3A : vector<1024x128xf32>
    %get3A_17 = arith.constant 0 : index
    %get3A_18 = arith.constant 0 : index
    %get3A_19 = vector.load %arg4[%get3A_17, %get3A_18] : memref<1x128xf32, #tpu.memory_space<vmem>>, vector<1x128xf32>
    %add3A_20 = vector.broadcast %get3A_19 : vector<1x128xf32> to vector<1024x128xf32>
    %add3A_21 = arith.addf %mul3A_16, %add3A_20 : vector<1024x128xf32>
    %logistic3A = arith.negf %add3A_21 : vector<1024x128xf32>
    %logistic3A_22 = math.exp %logistic3A : vector<1024x128xf32>
    %logistic3A_23 = arith.constant 1.000000e+00 : f32
    %logistic3A_24 = vector.broadcast %logistic3A_23 : f32 to vector<1024x128xf32>
    %logistic3A_25 = arith.addf %logistic3A_24, %logistic3A_22 : vector<1024x128xf32>
    %logistic3A_26 = arith.divf %logistic3A_24, %logistic3A_25 : vector<1024x128xf32>
    %mul3A_27 = arith.mulf %add3A_21, %logistic3A_26 : vector<1024x128xf32>
    %get3A_28 = arith.constant 0 : index
    %get3A_29 = arith.constant 0 : index
    %get3A_30 = vector.load %arg5[%get3A_28, %get3A_29] : memref<128x128xf32, #tpu.memory_space<vmem>>, vector<128x128xf32>
    %dot_general3A = arith.constant dense<0.000000e+00> : vector<1024x128xf32>
    %dot_general3A_31 = tpu.matmul %mul3A_27, %get3A_30, %dot_general3A {dimension_numbers = #tpu.dot_dimension_numbers<[1], [0], [0], [1], [0, 0, 1, 1], [], []>, transpose_lhs_hint = false} : vector<1024x128xf32>, vector<128x128xf32>, vector<1024x128xf32> -> vector<1024x128xf32>
    %get3A_32 = arith.constant 0 : index
    %get3A_33 = arith.constant 0 : index
    %get3A_34 = vector.load %arg3[%get3A_32, %get3A_33] : memref<1024x1xf32, #tpu.memory_space<vmem>>, vector<1024x1xf32>
    %mul3A_35 = vector.broadcast %get3A_34 : vector<1024x1xf32> to vector<1024x128xf32>
    %mul3A_36 = arith.mulf %dot_general3A_31, %mul3A_35 : vector<1024x128xf32>
    %swap3A = arith.constant 0 : index
    %swap3A_37 = arith.constant 0 : index
    %swap3A_38 = vector.load %arg6[%swap3A, %swap3A_37] : memref<1024x128xf32, #tpu.memory_space<vmem>>, vector<1024x128xf32>
    tpu.vector_store %arg6[%swap3A, %swap3A_37], %mul3A_36 {strides = array<i32>} : memref<1024x128xf32, #tpu.memory_space<vmem>>, vector<1024x128xf32>,
    return
  }
  func.func @transform_0(%arg0: i32) -> (i32, i32, i32) {
    %c0_i32 = arith.constant 0 : i32
    %c0_i32_0 = arith.constant 0 : i32
    %c0_i32_1 = arith.constant 0 : i32
    return %c0_i32, %arg0, %c0_i32_0 : i32, i32, i32
  }
  func.func @transform_1(%arg0: i32) -> (i32, i32) {
    %c0_i32 = arith.constant 0 : i32
    %c0_i32_0 = arith.constant 0 : i32
    return %arg0, %c0_i32 : i32, i32
  }
  func.func @transform_2(%arg0: i32) -> (i32, i32) {
    %c0_i32 = arith.constant 0 : i32
    %c0_i32_0 = arith.constant 0 : i32
    return %arg0, %c0_i32 : i32, i32
  }
  func.func @transform_3(%arg0: i32) -> (i32, i32) {
    %c0_i32 = arith.constant 0 : i32
    %c0_i32_0 = arith.constant 0 : i32
    %c0_i32_1 = arith.constant 0 : i32
    return %c0_i32, %c0_i32_0 : i32, i32
  }
  func.func @transform_4(%arg0: i32) -> (i32, i32) {
    %c0_i32 = arith.constant 0 : i32
    %c0_i32_0 = arith.constant 0 : i32
    %c0_i32_1 = arith.constant 0 : i32
    return %c0_i32, %c0_i32_0 : i32, i32
  }
  func.func @transform_5(%arg0: i32) -> (i32, i32) {
    %c0_i32 = arith.constant 0 : i32
    %c0_i32_0 = arith.constant 0 : i32
    return %arg0, %c0_i32 : i32, i32
  }
}

module attributes {stable_mosaic.version = 14 : i64} {
  func.func @_k5_body(%arg0: i32, %arg1: memref<2x1024x128xf32, #tpu.memory_space<vmem>>, %arg2: memref<1024x128xf32, #tpu.memory_space<vmem>>, %arg3: memref<1024x1xf32, #tpu.memory_space<vmem>>, %arg4: memref<1x128xf32, #tpu.memory_space<vmem>>, %arg5: memref<128x100xf32, #tpu.memory_space<vmem>>, %arg6: memref<1x100xf32, #tpu.memory_space<vmem>>, %arg7: memref<100x1xf32, #tpu.memory_space<vmem>>, %arg8: memref<1x1xf32, #tpu.memory_space<vmem>>, %arg9: memref<1024x1xf32, #tpu.memory_space<vmem>>) attributes {dimension_semantics = [#tpu.dimension_semantics<arbitrary>], iteration_bounds = array<i64: 10>, scalar_prefetch = 0 : i64, scratch_operands = 0 : i64, tpu.core_type = #tpu.core_type<tc>, window_params = [{transform_indices = @transform_0, window_bounds = array<i64: 2, 1024, 128>}, {transform_indices = @transform_1, window_bounds = array<i64: 1024, 128>}, {transform_indices = @transform_2, window_bounds = array<i64: 1024, 1>}, {pipeline_mode = #tpu.pipeline_mode<synchronous>, transform_indices = @transform_3, window_bounds = array<i64: 1, 128>}, {pipeline_mode = #tpu.pipeline_mode<synchronous>, transform_indices = @transform_4, window_bounds = array<i64: 128, 100>}, {pipeline_mode = #tpu.pipeline_mode<synchronous>, transform_indices = @transform_5, window_bounds = array<i64: 1, 100>}, {pipeline_mode = #tpu.pipeline_mode<synchronous>, transform_indices = @transform_6, window_bounds = array<i64: 100, 1>}, {pipeline_mode = #tpu.pipeline_mode<synchronous>, transform_indices = @transform_7, window_bounds = array<i64: 1, 1>}, {transform_indices = @transform_8, window_bounds = array<i64: 1024, 1>}]} {
    %get3A = arith.constant 0 : index
    %get3A_0 = arith.constant 0 : index
    %get3A_1 = arith.constant 0 : index
    %get3A_2 = vector.load %arg1[%get3A, %get3A_0, %get3A_1] : memref<2x1024x128xf32, #tpu.memory_space<vmem>>, vector<1x1024x128xf32>
    %get3A_3 = vector.shape_cast %get3A_2 : vector<1x1024x128xf32> to vector<1024x128xf32>
    %get3A_4 = arith.constant 1 : index
    %get3A_5 = arith.constant 0 : index
    %get3A_6 = arith.constant 0 : index
    %get3A_7 = vector.load %arg1[%get3A_4, %get3A_5, %get3A_6] : memref<2x1024x128xf32, #tpu.memory_space<vmem>>, vector<1x1024x128xf32>
    %get3A_8 = vector.shape_cast %get3A_7 : vector<1x1024x128xf32> to vector<1024x128xf32>
    %add3A = arith.addf %get3A_3, %get3A_8 : vector<1024x128xf32>
    %get3A_9 = arith.constant 0 : index
    %get3A_10 = arith.constant 0 : index
    %get3A_11 = vector.load %arg2[%get3A_9, %get3A_10] : memref<1024x128xf32, #tpu.memory_space<vmem>>, vector<1024x128xf32>
    %add3A_12 = arith.addf %add3A, %get3A_11 : vector<1024x128xf32>
    %get3A_13 = arith.constant 0 : index
    %get3A_14 = arith.constant 0 : index
    %get3A_15 = vector.load %arg3[%get3A_13, %get3A_14] : memref<1024x1xf32, #tpu.memory_space<vmem>>, vector<1024x1xf32>
    %mul3A = vector.broadcast %get3A_15 : vector<1024x1xf32> to vector<1024x128xf32>
    %mul3A_16 = arith.mulf %add3A_12, %mul3A : vector<1024x128xf32>
    %get3A_17 = arith.constant 0 : index
    %get3A_18 = arith.constant 0 : index
    %get3A_19 = vector.load %arg4[%get3A_17, %get3A_18] : memref<1x128xf32, #tpu.memory_space<vmem>>, vector<1x128xf32>
    %add3A_20 = vector.broadcast %get3A_19 : vector<1x128xf32> to vector<1024x128xf32>
    %add3A_21 = arith.addf %mul3A_16, %add3A_20 : vector<1024x128xf32>
    %logistic3A = arith.negf %add3A_21 : vector<1024x128xf32>
    %logistic3A_22 = math.exp %logistic3A : vector<1024x128xf32>
    %logistic3A_23 = arith.constant 1.000000e+00 : f32
    %logistic3A_24 = vector.broadcast %logistic3A_23 : f32 to vector<1024x128xf32>
    %logistic3A_25 = arith.addf %logistic3A_24, %logistic3A_22 : vector<1024x128xf32>
    %logistic3A_26 = arith.divf %logistic3A_24, %logistic3A_25 : vector<1024x128xf32>
    %mul3A_27 = arith.mulf %add3A_21, %logistic3A_26 : vector<1024x128xf32>
    %get3A_28 = arith.constant 0 : index
    %get3A_29 = arith.constant 0 : index
    %get3A_30 = vector.load %arg5[%get3A_28, %get3A_29] : memref<128x100xf32, #tpu.memory_space<vmem>>, vector<128x100xf32>
    %dot_general3A = arith.constant dense<0.000000e+00> : vector<1024x100xf32>
    %dot_general3A_31 = tpu.matmul %mul3A_27, %get3A_30, %dot_general3A {dimension_numbers = #tpu.dot_dimension_numbers<[1], [0], [0], [1], [0, 0, 1, 1], [], []>, transpose_lhs_hint = false} : vector<1024x128xf32>, vector<128x100xf32>, vector<1024x100xf32> -> vector<1024x100xf32>
    %get3A_32 = arith.constant 0 : index
    %get3A_33 = arith.constant 0 : index
    %get3A_34 = vector.load %arg6[%get3A_32, %get3A_33] : memref<1x100xf32, #tpu.memory_space<vmem>>, vector<1x100xf32>
    %add3A_35 = vector.broadcast %get3A_34 : vector<1x100xf32> to vector<1024x100xf32>
    %add3A_36 = arith.addf %dot_general3A_31, %add3A_35 : vector<1024x100xf32>
    %logistic3A_37 = arith.negf %add3A_36 : vector<1024x100xf32>
    %logistic3A_38 = math.exp %logistic3A_37 : vector<1024x100xf32>
    %logistic3A_39 = arith.constant 1.000000e+00 : f32
    %logistic3A_40 = vector.broadcast %logistic3A_39 : f32 to vector<1024x100xf32>
    %logistic3A_41 = arith.addf %logistic3A_40, %logistic3A_38 : vector<1024x100xf32>
    %logistic3A_42 = arith.divf %logistic3A_40, %logistic3A_41 : vector<1024x100xf32>
    %mul3A_43 = arith.mulf %add3A_36, %logistic3A_42 : vector<1024x100xf32>
    %get3A_44 = arith.constant 0 : index
    %get3A_45 = arith.constant 0 : index
    %get3A_46 = vector.load %arg7[%get3A_44, %get3A_45] : memref<100x1xf32, #tpu.memory_space<vmem>>, vector<100x1xf32>
    %dot_general3A_47 = arith.constant dense<0.000000e+00> : vector<1024x1xf32>
    %dot_general3A_48 = tpu.matmul %mul3A_43, %get3A_46, %dot_general3A_47 {dimension_numbers = #tpu.dot_dimension_numbers<[1], [0], [0], [1], [0, 0, 1, 1], [], []>, transpose_lhs_hint = false} : vector<1024x100xf32>, vector<100x1xf32>, vector<1024x1xf32> -> vector<1024x1xf32>
    %get3A_49 = arith.constant 0 : index
    %get3A_50 = arith.constant 0 : index
    %get3A_51 = vector.load %arg8[%get3A_49, %get3A_50] : memref<1x1xf32, #tpu.memory_space<vmem>>, vector<1x1xf32>
    %add3A_52 = vector.broadcast %get3A_51 : vector<1x1xf32> to vector<1024x1xf32>
    %add3A_53 = arith.addf %dot_general3A_48, %add3A_52 : vector<1024x1xf32>
    %logistic3A_54 = arith.negf %add3A_53 : vector<1024x1xf32>
    %logistic3A_55 = math.exp %logistic3A_54 : vector<1024x1xf32>
    %logistic3A_56 = arith.constant 1.000000e+00 : f32
    %logistic3A_57 = vector.broadcast %logistic3A_56 : f32 to vector<1024x1xf32>
    %logistic3A_58 = arith.addf %logistic3A_57, %logistic3A_55 : vector<1024x1xf32>
    %logistic3A_59 = arith.divf %logistic3A_57, %logistic3A_58 : vector<1024x1xf32>
    %swap3A = arith.constant 0 : index
    %swap3A_60 = arith.constant 0 : index
    %swap3A_61 = vector.load %arg9[%swap3A, %swap3A_60] : memref<1024x1xf32, #tpu.memory_space<vmem>>, vector<1024x1xf32>
    tpu.vector_store %arg9[%swap3A, %swap3A_60], %logistic3A_59 {strides = array<i32>} : memref<1024x1xf32, #tpu.memory_space<vmem>>, vector<1024x1xf32>,
    return
  }
  func.func @transform_0(%arg0: i32) -> (i32, i32, i32) {
    %c0_i32 = arith.constant 0 : i32
    %c0_i32_0 = arith.constant 0 : i32
    %c0_i32_1 = arith.constant 0 : i32
    return %c0_i32, %arg0, %c0_i32_0 : i32, i32, i32
  }
  func.func @transform_1(%arg0: i32) -> (i32, i32) {
    %c0_i32 = arith.constant 0 : i32
    %c0_i32_0 = arith.constant 0 : i32
    return %arg0, %c0_i32 : i32, i32
  }
  func.func @transform_2(%arg0: i32) -> (i32, i32) {
    %c0_i32 = arith.constant 0 : i32
    %c0_i32_0 = arith.constant 0 : i32
    return %arg0, %c0_i32 : i32, i32
  }
  func.func @transform_3(%arg0: i32) -> (i32, i32) {
    %c0_i32 = arith.constant 0 : i32
    %c0_i32_0 = arith.constant 0 : i32
    %c0_i32_1 = arith.constant 0 : i32
    return %c0_i32, %c0_i32_0 : i32, i32
  }
  func.func @transform_4(%arg0: i32) -> (i32, i32) {
    %c0_i32 = arith.constant 0 : i32
    %c0_i32_0 = arith.constant 0 : i32
    %c0_i32_1 = arith.constant 0 : i32
    return %c0_i32, %c0_i32_0 : i32, i32
  }
  func.func @transform_5(%arg0: i32) -> (i32, i32) {
    %c0_i32 = arith.constant 0 : i32
    %c0_i32_0 = arith.constant 0 : i32
    %c0_i32_1 = arith.constant 0 : i32
    return %c0_i32, %c0_i32_0 : i32, i32
  }
  func.func @transform_6(%arg0: i32) -> (i32, i32) {
    %c0_i32 = arith.constant 0 : i32
    %c0_i32_0 = arith.constant 0 : i32
    %c0_i32_1 = arith.constant 0 : i32
    return %c0_i32, %c0_i32_0 : i32, i32
  }
  func.func @transform_7(%arg0: i32) -> (i32, i32) {
    %c0_i32 = arith.constant 0 : i32
    %c0_i32_0 = arith.constant 0 : i32
    %c0_i32_1 = arith.constant 0 : i32
    return %c0_i32, %c0_i32_0 : i32, i32
  }
  func.func @transform_8(%arg0: i32) -> (i32, i32) {
    %c0_i32 = arith.constant 0 : i32
    %c0_i32_0 = arith.constant 0 : i32
    return %arg0, %c0_i32 : i32, i32
  }
}

</mosaic_0001>

<sc_bundles>
// kernel: kernel.11.cloned.1.call-start
scs
__scs_entry_jumppad:
0x0: {  	(pc) =	sbr.rel $0x88, $3  }
0x1: {  	(tag) =	ssettag $0x0;
	lr =	simm.s32 $0x1  }
0x2: {  	[smem:$0x3F97] =	sst lr;
	_ =	strace $0xD0000000  }
0x3: {  	_ = 	snop  }
0x4: {  	_ = 	snop  }
0x5: {  	_ = 	snop  }
0x6: {  	_ = 	snop  }
0x7: {  	_ = 	snop  }
__scs_overlays_trampoline_lowered:
0x8: {  	[smem:$0x3FA6] =	sst s0  }
0x9: {  	[smem:$0x3FA7] =	sst s1  }
0xa: {  	[smem:$0x3FA8] =	sst s2  }
0xb: {  	[smem:$0x3FA9] =	sst s3  }
0xc: {  	[smem:$0x3FAA] =	sst s4  }
0xd: {  	[smem:$0x3FAB] =	sst s5  }
0xe: {  	[smem:$0x3FAC] =	sst s6  }
0xf: {  	[smem:$0x3FAD] =	sst s7  }
0x10: {  	[smem:$0x3FAE] =	sst s8  }
0x11: {  	[smem:$0x3FAF] =	sst s9;
	s0 =	simm.s32 @!p0 $0x0  }
0x12: {  	s1 =	sld [smem:$0x3F95];
	s0 =	simm.s32 @p0 $0x1  }
0x13: {  	[smem:$0x3FB0] =	sst s0;
	s0 =	simm.s32 @!p1 $0x0  }
0x14: {  	s2 =	sld [smem:$0x3F94];
	s0 =	simm.s32 @p1 $0x1  }
0x15: {  	[smem:$0x3FB1] =	sst s0;
	s0 =	simm.s32 @!p2 $0x0  }
0x16: {  	s3 =	sld [smem:$0x3FDB];
	s0 =	simm.s32 @p2 $0x1  }
0x17: {  	s4 =	simm.s32 $0x1BF5;
	[smem:$0x3FB3] =	sst s0  }
0x18: {  	s0 =	sld [smem:$0x3F96];
	_ =	swait.ge [sflag:s4], $0x0  }
0x19: {  	s7 =	sld [smem:$0x3F97]  }
0x1a: {  	s8 =	sadd.s32 $0xFFFFE003, lr  }
0x1b: {  	s9 =	sadd.s32 $0xFFFFFEF7, lr;
	s5 =	simm.s32 $0xFFFFFFFF;
	p2 =	slt.u32 s8, $0xFFFFF086  }
0x1c: {  	p1 =	slt.u32 s9, $0xF7A;
	s5 =	simm.s32 @!p2 $0x0  }
0x1d: {  	s5 =	simm.s32 @p1 $0x1;
	p0 =	seq.s32 s7, s2  }
0x1e: {  	s7 =	smul.u32 @!p0 $0xF7A, s2;
	p2 =	seq.s32 @!p0 s5, $0x0  }
0x1f: {  	s9 =	smul.u32 $0xF7A, s1;
	s8 =	simm.s32 @!p0 $0x1BF5;
	p2 =	por !p2, p0  }
0x20: {  	[sflag:s8] =	ssyncset.s32 @!p0 $0xFFFFF086;
	s6 =	sadd.s32 @!p0 s3, s7;
	s7 =	simm.s32 @!p0 $0x108  }
0x21: {  	s3 =	sadd.s32 s3, s9;
	s6 =	sadd.s32 @!p0 $0x88, s6;
	s7 =	simm.s32 @p2 $0x1082  }
0x22: {  	[simem:s7], [sflag:s8] =	dma.local @!p0 [hbm:s6], $0xF7A  }
0x23: {  	s9 =	sor.u32 $0xD0000000, s2;
	s6 =	simm.s32 $0x108;
	_ =	swait.ge @!p0 [sflag:s8], $0x0  }
0x24: {  	s3 =	sadd.s32 $0x88, s3;
	s6 =	simm.s32 @!p1 $0x1082;
	[sflag:s4] =	ssyncset.s32 $0xFFFFF086  }
0x25: {  	[simem:s6], [sflag:s4] =	dma.local [hbm:s3], $0xF7A  }
0x26: {  	[smem:$0x3F97] =	sst s1;
	(tag) =	ssettag s2;
	_ =	strace s9  }
0x27: {  	s1 =	sld [smem:$0x3FA7]  }
0x28: {  	s2 =	sld [smem:$0x3FA8]  }
0x29: {  	s4 =	sld [smem:$0x3FAA]  }
0x2a: {  	p0 =	seq.s32 s5, $0x0;
	s5 =	sld [smem:$0x3FAB]  }
0x2b: {  	s6 =	sld [smem:$0x3FAC]  }
0x2c: {  	s7 =	sld [smem:$0x3FAD]  }
0x2d: {  	s3 =	simm.s32 $0x108;
	s8 =	sld [smem:$0x3FAE]  }
0x2e: {  	s3 =	simm.s32 @!p0 $0x1082;
	s9 =	sld [smem:$0x3FAF]  }
0x2f: {  	lr =	sadd.s32 s0, s3;
	s0 =	sld [smem:$0x3FA6]  }
0x30: {  	s3 =	sld [smem:$0x3FA9]  }
0x31: {  	[smem:$0x3FB2] =	sst s10  }
0x32: {  	s10 =	sld [smem:$0x3FB0];
	_ =	sdelay $0x3  }
0x33: {  	p0 =	seq.s32 s10, $0x1;
	s10 =	sld [smem:$0x3FB2];
	_ =	sdelay $0x3  }
0x34: {  	[smem:$0x3FB2] =	sst s10  }
0x35: {  	s10 =	sld [smem:$0x3FB1];
	_ =	sdelay $0x3  }
0x36: {  	p1 =	seq.s32 s10, $0x1;
	s10 =	sld [smem:$0x3FB2];
	_ =	sdelay $0x3  }
0x37: {  	[smem:$0x3FB2] =	sst s10  }
0x38: {  	s10 =	sld [smem:$0x3FB3]  }
0x39: {  	_ = 	snop;
	(pc) =	sbr.ind lr, $3  }
0x3a: {  	_ = 	snop  }
0x3b: {  	_ = 	snop  }
0x3c: {  	p2 =	seq.s32 s10, $0x1;
	s10 =	sld [smem:$0x3FB2]  }
0x3d: {  	_ =	shalt  }
0x3e: {  	_ =	shalt  }
0x3f: {  	_ =	shalt  }
0x40: {  	_ =	shalt  }
0x41: {  	_ =	shalt  }
0x42: {  	_ =	shalt  }
0x43: {  	_ =	shalt  }
0x44: {  	_ =	shalt  }
0x45: {  	_ =	shalt  }
0x46: {  	_ =	shalt  }
0x47: {  	_ =	shalt  }
0x48: {  	_ =	shalt  }
0x49: {  	_ =	shalt  }
0x4a: {  	_ =	shalt  }
0x4b: {  	_ =	shalt  }
0x4c: {  	_ =	shalt  }
0x4d: {  	_ =	shalt  }
0x4e: {  	_ =	shalt  }
0x4f: {  	_ =	shalt  }
0x50: {  	_ =	shalt  }
0x51: {  	_ =	shalt  }
0x52: {  	_ =	shalt  }
0x53: {  	_ =	shalt  }
0x54: {  	_ =	shalt  }
0x55: {  	_ =	shalt  }
0x56: {  	_ =	shalt  }
0x57: {  	_ =	shalt  }
0x58: {  	_ =	shalt  }
0x59: {  	_ =	shalt  }
0x5a: {  	_ =	shalt  }
0x5b: {  	_ =	shalt  }
0x5c: {  	_ =	shalt  }
0x5d: {  	_ =	shalt  }
0x5e: {  	_ =	shalt  }
0x5f: {  	_ =	shalt  }
0x60: {  	_ =	shalt  }
0x61: {  	_ =	shalt  }
0x62: {  	_ =	shalt  }
0x63: {  	_ =	shalt  }
0x64: {  	_ =	shalt  }
0x65: {  	_ =	shalt  }
0x66: {  	_ =	shalt  }
0x67: {  	_ =	shalt  }
0x68: {  	_ =	shalt  }
0x69: {  	_ =	shalt  }
0x6a: {  	_ =	shalt  }
0x6b: {  	_ =	shalt  }
0x6c: {  	_ =	shalt  }
0x6d: {  	_ =	shalt  }
0x6e: {  	_ =	shalt  }
0x6f: {  	_ =	shalt  }
0x70: {  	_ =	shalt  }
0x71: {  	_ =	shalt  }
0x72: {  	_ =	shalt  }
0x73: {  	_ =	shalt  }
0x74: {  	_ =	shalt  }
0x75: {  	_ =	shalt  }
0x76: {  	_ =	shalt  }
0x77: {  	_ =	shalt  }
0x78: {  	_ =	shalt  }
0x79: {  	_ =	shalt  }
0x7a: {  	_ =	shalt  }
0x7b: {  	_ =	shalt  }
0x7c: {  	_ =	shalt  }
0x7d: {  	_ =	shalt  }
0x7e: {  	_ =	shalt  }
0x7f: {  	_ =	shalt  }
0x80: {  	_ =	shalt  }
0x81: {  	_ =	shalt  }
0x82: {  	_ =	shalt  }
0x83: {  	_ =	shalt  }
0x84: {  	_ =	shalt  }
0x85: {  	_ =	shalt  }
0x86: {  	_ =	shalt  }
0x87: {  	_ =	shalt  }
.Lfunc_end0:
.L_simem_size_0:
called_computation.1_lowered:
.L_overlay_start_0:
0x88: {  	s2 =	sld [smem:$0x3FD9]  }
0x89: {  	s3 =	sld [smem:$0x3FFE];
	_ =	sdelay $0x1  }
0x8a: {  	s1 =	srdreg.scid  }
0x8b: {  	s0 =	sand.u32 $0x1, s1  }
0x8c: {  	s16 =	sshll.u32 s0, $0xA;
	s2 =	sadd.s32 s3, s2  }
0x8d: {  	s2 =	sadd.s32 s2, s16  }
0x8e: {  	[smem:$0x3FBE] =	sst s2  }
0x8f: {  	_ = 	snop  }
0x90: {  	(tm) =	ssettm $0x1  }
0x91: {  	s17 =	sld [smem:$0x3FFB];
	_ =	sdelay $0x3  }
0x92: {  	_ =	strace s17  }
0x93: {  	s2 =	sld [smem:$0x3FFC];
	_ =	sdelay $0x3  }
0x94: {  	_ =	strace s2  }
0x95: {  	s2 =	sld [smem:$0x3FFD];
	_ =	sdelay $0x3  }
0x96: {  	_ =	strace s2  }
0x97: {  	_ =	strace $0x8FFFFFFF  }
0x98: {  	s18 =	sld [smem:$0x3FDB];
	_ =	sdelay $0x1  }
0x99: {  	s19 =	simm.s32 $_scs_section_size  }
0x9a: {  	s4 =	simm.s32 $_size__tile_overlayer_lowered;
	s5 =	simm.s32 $_tile_overlayer_lowered  }
0x9b: {  	s22 =	simm.s32 $0x1BFF;
	s21 =	sshll.u32 s5, $0x1;
	s2 =	sadd.s32 s19, s18  }
0x9c: {  	s6 =	simm.s32 $0x0;
	s20 =	sshll.u32 s4, $0x1;
	s4 =	sadd.s32 s21, s2  }
0x9d: {  	[timem:s6], [sflag:s22] =	dma.local [hbm:s4], s20  }
0x9e: {  	_ =	swait.ge [sflag:s22], s20  }
0x9f: {  	s3 =	ssub.s32 $0x0, s20;
	[sflag:s22] =	ssyncset.done $0x0  }
0xa0: {  	[sflag:s22] =	ssyncadd.s32 s3;
	_ =	sdelay $0x1  }
0xa1: {  	s23 =	simm.s32 $0x1B8B  }
0xa2: {  	_ =	swait.ge [sflag:s23], $0x1  }
0xa3: {  	[sflag:s23] =	ssyncset.done $0x0  }
0xa4: {  	s25 =	simm.s32 $0x1B8E;
	s24 =	sld [smem:$0x3FFE];
	[sflag:s23] =	ssyncadd.s32 $0xFFFFFFFF  }
0xa5: {  	s26 =	simm.s32 $execute0_lowered;
	[smem:$0x3FD2] =	sst s25  }
0xa6: {  	s4 =	sshll.u32 s26, $0x1;
	_ =	strace $0x80000049;
	[dreg:$0x1] =	wrdreg $0xFFFFFFFF  }
0xa7: {  	s28 =	simm.s32 $_size_execute0_lowered;
	s2 =	sadd.s32 s2, s4;
	[dreg:$0x0] =	wrdreg $0x0  }
0xa8: {  	s4 =	sshll.u32 s28, $0x1;
	[dreg:$0x2] =	wrdreg s2  }
0xa9: {  	[dreg:$0x3] =	wrdreg s4  }
0xaa: {  	[dreg:$0x4] =	wrdreg $0xC0  }
0xab: {  	_ =	task [dreg:s6], $0x5FFFF  }
0xac: {  	[dreg:$0x1] =	wrdreg $0xFFFFFFFF  }
0xad: {  	[dreg:$0x0] =	wrdreg $0x60  }
0xae: {  	[dreg:$0x2] =	wrdreg s24  }
0xaf: {  	[dreg:$0x3] =	wrdreg $0xA8000  }
0xb0: {  	[dreg:$0x4] =	wrdreg $0x9  }
0xb1: {  	_ =	task.clear_ibuf [dreg:s6], $0x5FFFF;
	_ =	strace $0x90000049  }
0xb2: {  	s29 =	simm.s32 $0x9;
	_ =	strace $0x8000004B  }
0xb3: {  	_ =	swait.ge [sflag:s29], $0x1  }
0xb4: {  	[sflag:s29] =	ssyncadd.s32 $0xFFFFFFFF  }
0xb5: {  	_ =	strace $0x9000004B  }
0xb6: {  	_ =	sfence  }
0xb7: {  	s30 =	sld [smem:$0x0];
	_ =	sdelay $0x2  }
0xb8: {  	s31 =	sshll.u32 s1, $0xD;
	s1 =	sshrl.u32 s1, $0x2  }
0xb9: {  	s3 =	sand.u32 $0x4000, s31;
	s1 =	sadd.s32 s1, s30  }
0xba: {  	s0 =	sor.u32 s3, s0;
	s1 =	sshll.u32 s1, $0x11  }
0xbb: {  	s0 =	sor.u32 s1, s0  }
0xbc: {  	s0 =	sadd.s32 $0x8F2B, s0  }
0xbd: {  	[sflag:s0] =	ssyncadd.remote.s32 $0x1  }
0xbe: {  	_ =	sfence.sel $0xFFFF  }
0xbf: {  	[dreg:$0x0] =	wrdreg $0xFFFFFFFF;
	(pc) =	sbr.abs _section_cstart, $3  }
0xc0: {  	[dreg:$0x1] =	wrdreg $0xFFFFFFFF  }
0xc1: {  	_ =	task.clear_ibuf [dreg:s6], $0x2FFFF;
	_ =	strace $0x9FFFFFFF  }
0xc2: {  	(tm) =	ssettm $0x7FFFFFFF  }
0xc3: {  	_ =	shalt  }
tec
execute0_lowered:
.L_overlay_start_1:
0x0: {  	(tag) =	ssettag $0x1  }
0x1: {  	s1 =	srdreg.scid;
	s6 =	rddreg [dreg:$0x0]  }
0x2: {  	s0 =	stileid.u32;
	s7 =	rddreg [dreg:$0x1];
	s2 =	simm.s32 $0x0  }
0x3: {  	s14 =	simm.s32 $0x1400;
	s15 =	simm.s32 $0x80;
	s16 =	simm.s32 $0x2800  }
0x4: {  	s17 =	simm.s32 $0x6800;
	s18 =	simm.s32 $0x1;
	s19 =	simm.s32 $0x2  }
0x5: {  	s20 =	simm.s32 $0x0;
	s5 =	sand.u32 $0x1, s1;
	s9 =	smul.u32 $0x14000, s0  }
0x6: {  	s26 =	sshll.u32 s0, $0x1;
	[smem:$0x7FF] =	sst s2;
	s10 =	smul.u32 $0x50000, s0  }
0x7: {  	s3 =	sadd.s32 $0x16A00, s6;
	s1 =	sor.u32 s5, s26;
	s8 =	smul.u32 $0x140000, s5  }
0x8: {  	s31 =	sshll.u32 s0, $0x6;
	s5 =	ssub.s32 $0x2, s5;
	s4 =	smul.u32 $0x2800, s1  }
0x9: {  	s1 =	rddreg [dreg:$0x2];
	_ =	strace $0x8000004A;
	s29 =	sshrl.u32 s5, $0x1  }
0xa: {  	s30 =	sshrl.u32 s10, $0x2;
	s8 =	sadd.s32 s9, s8;
	s12 =	ssub.s32 s5, s29  }
0xb: {  	s13 =	sadd.s32 s30, s7;
	s5 =	sor.u32 $0x1C03, s31;
	s4 =	sshrl.u32 s4, $0x3  }
0xc: {  	s8 =	sshrl.u32 s8, $0x3;
	s28 =	sadd.s32 s4, s6;
	s4 =	sadd.s32 $0x3EA00, s6  }
0xd: {  	s11 =	sadd.s32 s8, s6;
	s6 =	sadd.s32 $0x2A00, s28;
	s7 =	sadd.s32 $0xCA00, s28  }
0xe: {  	s8 =	sadd.s32 $0x2C80, s28;
	s9 =	sadd.s32 $0xCC80, s28;
	s10 =	sadd.s32 $0x41200, s11  }
0xf: {  	s11 =	smax.u32 s12, $0x1;
	s12 =	sshrl.u32 s13, $0x3;
	s13 =	simm.s32 $0x3  }
.LBB2_1:
0x10: {  	[spmem:s12], [sflag:s5] =	dma.local [hbm:s4], $0x2800  }
0x11: {  	_ =	swait.ge [sflag:s13], $0x2800  }
0x12: {  	[sflag:s13] =	ssyncset.done $0x0  }
0x13: {  	[sflag:s13] =	ssyncadd.s32 $0xFFFFD800  }
0x14: {  	[bflag:$0x0] =	sbarrier.arrive $0xFFFF  }
0x15: {  	[tilespmem:s2], [sflag:$0x3] =	stream.linear.gather [hbm4b:s6+s2], $0x1400, $0x38;
	[tilespmem:$0x1E800] =	vst v63  }
0x16: {  	_ =	swait.ge [sflag:s13], $0x1400  }
0x17: {  	[sflag:s13] =	ssyncset.done $0x0  }
0x18: {  	[sflag:s13] =	ssyncadd.s32 $0xFFFFEC00  }
0x19: {  	[tilespmem:s14], [sflag:$0x3] =	stream.linear.gather [hbm4b:s7+s2], $0x1400, $0x38;
	[tilespmem:$0x1E800] =	vst v63  }
0x1a: {  	_ =	swait.ge [sflag:s13], $0x1400  }
0x1b: {  	[sflag:s13] =	ssyncset.done $0x0  }
0x1c: {  	[sflag:s13] =	ssyncadd.s32 $0xFFFFEC00  }
0x1d: {  	[tilespmem:s16], [sflag:$0x1] =	stream.indirect.gather [hbm4b:s3+s15], $0x80, s2, s15, $0xb8;
	[tilespmem:$0x1E800] =	vst v63  }
0x1e: {  	_ = 	snop  }
0x1f: {  	[tilespmem:s17], [sflag:$0x2] =	stream.indirect.gather [hbm4b:s3+s15], $0x80, s15, s15, $0xb8;
	[tilespmem:$0x1E800] =	vst v63  }
0x20: {  	_ =	swait.ge [sflag:s18], $0x4000  }
0x21: {  	[sflag:s18] =	ssyncset.done $0x0  }
0x22: {  	[sflag:s18] =	ssyncadd.s32 $0xFFFFC000  }
0x23: {  	_ =	swait.ge [sflag:s19], $0x4000  }
0x24: {  	[sflag:s19] =	ssyncset.done $0x0  }
0x25: {  	s21 =	simm.s32 $0x100;
	[sflag:s19] =	ssyncadd.s32 $0xFFFFC000  }
0x26: {  	[tilespmem:s16], [sflag:$0x1] =	stream.indirect.gather [hbm4b:s3+s15], $0x80, s21, s15, $0xb8;
	[tilespmem:$0x1E800] =	vst v63  }
0x27: {  	s22 =	simm.s32 $0x180;
	s21 =	simm.s32 $0xFFFFB800  }
.LBB2_2:
0x28: {  	[tilespmem:s17], [sflag:$0x2] =	stream.indirect.gather [hbm4b:s3+s15], $0x80, s22, s15, $0xb8;
	[tilespmem:$0x1E800] =	vst v63  }
0x29: {  	s22 =	smov.u32 s21  }
0x2a: {  	p0 =	sne.s32 s21, $0xFFFFFC00;
	s21 =	sadd.s32 $0x400, s21;
	_ =	swait.ge [sflag:s18], $0x4000  }
0x2b: {  	[sflag:s18] =	ssyncset.done $0x0  }
0x2c: {  	[sflag:s18] =	ssyncadd.s32 $0xFFFFC000  }
.Ltmp0:
0x2d: {  	_ =	swait.ge [sflag:s19], $0x4000;
	(pc) =	sbr.rel @p0 .LBB2_2-.Ltmp0, $4  }
0x2e: {  	s22 =	sshra.s32 s22, $0x2;
	[sflag:s19] =	ssyncset.done $0x0  }
0x2f: {  	s23 =	sadd.s32 $0x1400, s22;
	[sflag:s19] =	ssyncadd.s32 $0xFFFFC000  }
0x30: {  	[tilespmem:s16], [sflag:$0x1] =	stream.indirect.gather [hbm4b:s3+s15], $0x80, s23, s15, $0xb8;
	[tilespmem:$0x1E800] =	vst v63  }
0x31: {  	s22 =	sadd.s32 $0x1480, s22  }
0x32: {  	[tilespmem:s17], [sflag:$0x2] =	stream.indirect.gather [hbm4b:s3+s15], $0x80, s22, s15, $0xb8;
	[tilespmem:$0x1E800] =	vst v63  }
0x33: {  	_ =	swait.ge [sflag:s18], $0x4000  }
0x34: {  	[sflag:s18] =	ssyncset.done $0x0  }
0x35: {  	[sflag:s18] =	ssyncadd.s32 $0xFFFFC000  }
0x36: {  	_ =	swait.ge [sflag:s19], $0x4000  }
0x37: {  	[sflag:s19] =	ssyncset.done $0x0  }
0x38: {  	[sflag:s19] =	ssyncadd.s32 $0xFFFFC000  }
0x39: {  	[tilespmem:s2], [sflag:$0x3] =	stream.linear.gather [hbm4b:s8+s2], $0x1400, $0x38;
	[tilespmem:$0x1E800] =	vst v63  }
0x3a: {  	_ =	swait.ge [sflag:s13], $0x1400  }
0x3b: {  	[sflag:s13] =	ssyncset.done $0x0  }
0x3c: {  	[sflag:s13] =	ssyncadd.s32 $0xFFFFEC00  }
0x3d: {  	[tilespmem:s14], [sflag:$0x3] =	stream.linear.gather [hbm4b:s9+s2], $0x1400, $0x38;
	[tilespmem:$0x1E800] =	vst v63  }
0x3e: {  	_ =	swait.ge [sflag:s13], $0x1400  }
0x3f: {  	[sflag:s13] =	ssyncset.done $0x0  }
0x40: {  	[sflag:s13] =	ssyncadd.s32 $0xFFFFEC00  }
0x41: {  	[tilespmem:s16], [sflag:$0x1] =	stream.indirect.gather [hbm4b:s3+s15], $0x80, s2, s15, $0xb8;
	[tilespmem:$0x1E800] =	vst v63  }
0x42: {  	_ = 	snop  }
0x43: {  	[tilespmem:s17], [sflag:$0x2] =	stream.indirect.gather [hbm4b:s3+s15], $0x80, s15, s15, $0xb8;
	[tilespmem:$0x1E800] =	vst v63  }
0x44: {  	_ =	swait.ge [sflag:s18], $0x4000  }
0x45: {  	[sflag:s18] =	ssyncset.done $0x0  }
0x46: {  	[sflag:s18] =	ssyncadd.s32 $0xFFFFC000  }
0x47: {  	_ =	swait.ge [sflag:s19], $0x4000  }
0x48: {  	[sflag:s19] =	ssyncset.done $0x0  }
0x49: {  	s21 =	simm.s32 $0x100;
	[sflag:s19] =	ssyncadd.s32 $0xFFFFC000  }
0x4a: {  	[tilespmem:s16], [sflag:$0x1] =	stream.indirect.gather [hbm4b:s3+s15], $0x80, s21, s15, $0xb8;
	[tilespmem:$0x1E800] =	vst v63  }
0x4b: {  	s22 =	simm.s32 $0x180;
	s21 =	simm.s32 $0xFFFFB800  }
.LBB2_4:
0x4c: {  	[tilespmem:s17], [sflag:$0x2] =	stream.indirect.gather [hbm4b:s3+s15], $0x80, s22, s15, $0xb8;
	[tilespmem:$0x1E800] =	vst v63  }
0x4d: {  	s22 =	smov.u32 s21  }
0x4e: {  	p0 =	sne.s32 s21, $0xFFFFFC00;
	s21 =	sadd.s32 $0x400, s21;
	_ =	swait.ge [sflag:s18], $0x4000  }
0x4f: {  	[sflag:s18] =	ssyncset.done $0x0  }
0x50: {  	[sflag:s18] =	ssyncadd.s32 $0xFFFFC000  }
.Ltmp1:
0x51: {  	_ =	swait.ge [sflag:s19], $0x4000;
	(pc) =	sbr.rel @p0 .LBB2_4-.Ltmp1, $4  }
0x52: {  	s22 =	sshra.s32 s22, $0x2;
	[sflag:s19] =	ssyncset.done $0x0  }
0x53: {  	s23 =	sadd.s32 $0x1400, s22;
	[sflag:s19] =	ssyncadd.s32 $0xFFFFC000  }
0x54: {  	[tilespmem:s16], [sflag:$0x1] =	stream.indirect.gather [hbm4b:s3+s15], $0x80, s23, s15, $0xb8;
	[tilespmem:$0x1E800] =	vst v63  }
0x55: {  	s22 =	sadd.s32 $0x1480, s22  }
0x56: {  	[tilespmem:s17], [sflag:$0x2] =	stream.indirect.gather [hbm4b:s3+s15], $0x80, s22, s15, $0xb8;
	[tilespmem:$0x1E800] =	vst v63  }
0x57: {  	_ =	swait.ge [sflag:s18], $0x4000  }
0x58: {  	[sflag:s18] =	ssyncset.done $0x0  }
0x59: {  	[sflag:s18] =	ssyncadd.s32 $0xFFFFC000  }
0x5a: {  	_ =	swait.ge [sflag:s19], $0x4000  }
0x5b: {  	s20 =	sadd.s32 $0x1, s20;
	[sflag:s19] =	ssyncset.done $0x0  }
0x5c: {  	p0 =	sne.s32 s20, s11;
	[sflag:s19] =	ssyncadd.s32 $0xFFFFC000  }
.Ltmp2:
0x5d: {  	[bflag:$0x0] =	sbarrier.arrive $0xFFFF;
	(pc) =	sbr.rel @p0 .LBB2_1-.Ltmp2, $4  }
0x5e: {  	[hbm:s10], [sflag:s5] =	dma.local [spmem:s12], $0x2800  }
0x5f: {  	_ =	swait.ge [sflag:s13], $0x2800  }
0x60: {  	[sflag:s13] =	ssyncset.done $0x0  }
0x61: {  	[sflag:s13] =	ssyncadd.s32 $0xFFFFD800  }
0x62: {  	_ =	sfence.sel $0x180000  }
0x63: {  	[bflag:$0x0] =	sbarrier.arrive $0xFFFF  }
0x64: {  	p0 =	sne.s32 s0, $0x0;
	_ =	strace $0x9000004A  }
0x65: {  	s0 =	sadd.s32 @!p0 $0x100000, s1;
	[bflag:$0x2] =	sbarrier.arrive $0xFFFF  }
0x66: {  	[sflag:s0] =	ssyncadd.tile.s32 @!p0 $0x1;
	_ =	shalt  }
.Lfunc_end2:
_tile_overlayer_lowered:
.L_overlay_start_2:
0x67: {  	(tag) =	ssettag $0x2  }
0x68: {  	s0 =	rddreg [dreg:$0x0];
	s2 =	stileid.u32  }
0x69: {  	s1 =	rddreg [dreg:$0x1];
	p0 =	sne.s32 s2, $0x0  }
0x6a: {  	s3 =	rddreg [dreg:$0x2];
	[bflag:$0x3] =	sbarrier.arrive $0xFFFF;
	s2 =	simm.s32 @!p0 $0x1C03  }
0x6b: {  	[timem:s3], [sflag:s2] =	dma.local @!p0 [hbm:s0], s1  }
0x6c: {  	s0 =	simm.s32 @!p0 $0x3  }
0x6d: {  	_ =	swait.ge @!p0 [sflag:s0], s1  }
0x6e: {  	s1 =	ssub.s32 @!p0 $0x0, s1;
	[sflag:s0] =	ssyncset.done @!p0 $0x0  }
0x6f: {  	[sflag:s0] =	ssyncadd.s32 @!p0 s1  }
0x70: {  	[bflag:$0x3] =	sbarrier.arrive $0xFFFF  }
0x71: {  	_ =	shalt  }

// kernel: kernel.14.cloned.1.call-start
scs
__scs_entry_jumppad:
0x0: {  	(pc) =	sbr.rel $0x88, $3  }
0x1: {  	(tag) =	ssettag $0x0;
	lr =	simm.s32 $0x1  }
0x2: {  	[smem:$0x3F97] =	sst lr;
	_ =	strace $0xD0000000  }
0x3: {  	_ = 	snop  }
0x4: {  	_ = 	snop  }
0x5: {  	_ = 	snop  }
0x6: {  	_ = 	snop  }
0x7: {  	_ = 	snop  }
__scs_overlays_trampoline_lowered:
0x8: {  	[smem:$0x3FA6] =	sst s0  }
0x9: {  	[smem:$0x3FA7] =	sst s1  }
0xa: {  	[smem:$0x3FA8] =	sst s2  }
0xb: {  	[smem:$0x3FA9] =	sst s3  }
0xc: {  	[smem:$0x3FAA] =	sst s4  }
0xd: {  	[smem:$0x3FAB] =	sst s5  }
0xe: {  	[smem:$0x3FAC] =	sst s6  }
0xf: {  	[smem:$0x3FAD] =	sst s7  }
0x10: {  	[smem:$0x3FAE] =	sst s8  }
0x11: {  	[smem:$0x3FAF] =	sst s9;
	s0 =	simm.s32 @!p0 $0x0  }
0x12: {  	s1 =	sld [smem:$0x3F95];
	s0 =	simm.s32 @p0 $0x1  }
0x13: {  	[smem:$0x3FB0] =	sst s0;
	s0 =	simm.s32 @!p1 $0x0  }
0x14: {  	s2 =	sld [smem:$0x3F94];
	s0 =	simm.s32 @p1 $0x1  }
0x15: {  	[smem:$0x3FB1] =	sst s0;
	s0 =	simm.s32 @!p2 $0x0  }
0x16: {  	s3 =	sld [smem:$0x3FDB];
	s0 =	simm.s32 @p2 $0x1  }
0x17: {  	s4 =	simm.s32 $0x1BF5;
	[smem:$0x3FB3] =	sst s0  }
0x18: {  	s0 =	sld [smem:$0x3F96];
	_ =	swait.ge [sflag:s4], $0x0  }
0x19: {  	s7 =	sld [smem:$0x3F97]  }
0x1a: {  	s8 =	sadd.s32 $0xFFFFE003, lr  }
0x1b: {  	s9 =	sadd.s32 $0xFFFFFEF7, lr;
	s5 =	simm.s32 $0xFFFFFFFF;
	p2 =	slt.u32 s8, $0xFFFFF086  }
0x1c: {  	p1 =	slt.u32 s9, $0xF7A;
	s5 =	simm.s32 @!p2 $0x0  }
0x1d: {  	s5 =	simm.s32 @p1 $0x1;
	p0 =	seq.s32 s7, s2  }
0x1e: {  	s7 =	smul.u32 @!p0 $0xF7A, s2;
	p2 =	seq.s32 @!p0 s5, $0x0  }
0x1f: {  	s9 =	smul.u32 $0xF7A, s1;
	s8 =	simm.s32 @!p0 $0x1BF5;
	p2 =	por !p2, p0  }
0x20: {  	[sflag:s8] =	ssyncset.s32 @!p0 $0xFFFFF086;
	s6 =	sadd.s32 @!p0 s3, s7;
	s7 =	simm.s32 @!p0 $0x108  }
0x21: {  	s3 =	sadd.s32 s3, s9;
	s6 =	sadd.s32 @!p0 $0x88, s6;
	s7 =	simm.s32 @p2 $0x1082  }
0x22: {  	[simem:s7], [sflag:s8] =	dma.local @!p0 [hbm:s6], $0xF7A  }
0x23: {  	s9 =	sor.u32 $0xD0000000, s2;
	s6 =	simm.s32 $0x108;
	_ =	swait.ge @!p0 [sflag:s8], $0x0  }
0x24: {  	s3 =	sadd.s32 $0x88, s3;
	s6 =	simm.s32 @!p1 $0x1082;
	[sflag:s4] =	ssyncset.s32 $0xFFFFF086  }
0x25: {  	[simem:s6], [sflag:s4] =	dma.local [hbm:s3], $0xF7A  }
0x26: {  	[smem:$0x3F97] =	sst s1;
	(tag) =	ssettag s2;
	_ =	strace s9  }
0x27: {  	s1 =	sld [smem:$0x3FA7]  }
0x28: {  	s2 =	sld [smem:$0x3FA8]  }
0x29: {  	s4 =	sld [smem:$0x3FAA]  }
0x2a: {  	p0 =	seq.s32 s5, $0x0;
	s5 =	sld [smem:$0x3FAB]  }
0x2b: {  	s6 =	sld [smem:$0x3FAC]  }
0x2c: {  	s7 =	sld [smem:$0x3FAD]  }
0x2d: {  	s3 =	simm.s32 $0x108;
	s8 =	sld [smem:$0x3FAE]  }
0x2e: {  	s3 =	simm.s32 @!p0 $0x1082;
	s9 =	sld [smem:$0x3FAF]  }
0x2f: {  	lr =	sadd.s32 s0, s3;
	s0 =	sld [smem:$0x3FA6]  }
0x30: {  	s3 =	sld [smem:$0x3FA9]  }
0x31: {  	[smem:$0x3FB2] =	sst s10  }
0x32: {  	s10 =	sld [smem:$0x3FB0];
	_ =	sdelay $0x3  }
0x33: {  	p0 =	seq.s32 s10, $0x1;
	s10 =	sld [smem:$0x3FB2];
	_ =	sdelay $0x3  }
0x34: {  	[smem:$0x3FB2] =	sst s10  }
0x35: {  	s10 =	sld [smem:$0x3FB1];
	_ =	sdelay $0x3  }
0x36: {  	p1 =	seq.s32 s10, $0x1;
	s10 =	sld [smem:$0x3FB2];
	_ =	sdelay $0x3  }
0x37: {  	[smem:$0x3FB2] =	sst s10  }
0x38: {  	s10 =	sld [smem:$0x3FB3]  }
0x39: {  	_ = 	snop;
	(pc) =	sbr.ind lr, $3  }
0x3a: {  	_ = 	snop  }
0x3b: {  	_ = 	snop  }
0x3c: {  	p2 =	seq.s32 s10, $0x1;
	s10 =	sld [smem:$0x3FB2]  }
0x3d: {  	_ =	shalt  }
0x3e: {  	_ =	shalt  }
0x3f: {  	_ =	shalt  }
0x40: {  	_ =	shalt  }
0x41: {  	_ =	shalt  }
0x42: {  	_ =	shalt  }
0x43: {  	_ =	shalt  }
0x44: {  	_ =	shalt  }
0x45: {  	_ =	shalt  }
0x46: {  	_ =	shalt  }
0x47: {  	_ =	shalt  }
0x48: {  	_ =	shalt  }
0x49: {  	_ =	shalt  }
0x4a: {  	_ =	shalt  }
0x4b: {  	_ =	shalt  }
0x4c: {  	_ =	shalt  }
0x4d: {  	_ =	shalt  }
0x4e: {  	_ =	shalt  }
0x4f: {  	_ =	shalt  }
0x50: {  	_ =	shalt  }
0x51: {  	_ =	shalt  }
0x52: {  	_ =	shalt  }
0x53: {  	_ =	shalt  }
0x54: {  	_ =	shalt  }
0x55: {  	_ =	shalt  }
0x56: {  	_ =	shalt  }
0x57: {  	_ =	shalt  }
0x58: {  	_ =	shalt  }
0x59: {  	_ =	shalt  }
0x5a: {  	_ =	shalt  }
0x5b: {  	_ =	shalt  }
0x5c: {  	_ =	shalt  }
0x5d: {  	_ =	shalt  }
0x5e: {  	_ =	shalt  }
0x5f: {  	_ =	shalt  }
0x60: {  	_ =	shalt  }
0x61: {  	_ =	shalt  }
0x62: {  	_ =	shalt  }
0x63: {  	_ =	shalt  }
0x64: {  	_ =	shalt  }
0x65: {  	_ =	shalt  }
0x66: {  	_ =	shalt  }
0x67: {  	_ =	shalt  }
0x68: {  	_ =	shalt  }
0x69: {  	_ =	shalt  }
0x6a: {  	_ =	shalt  }
0x6b: {  	_ =	shalt  }
0x6c: {  	_ =	shalt  }
0x6d: {  	_ =	shalt  }
0x6e: {  	_ =	shalt  }
0x6f: {  	_ =	shalt  }
0x70: {  	_ =	shalt  }
0x71: {  	_ =	shalt  }
0x72: {  	_ =	shalt  }
0x73: {  	_ =	shalt  }
0x74: {  	_ =	shalt  }
0x75: {  	_ =	shalt  }
0x76: {  	_ =	shalt  }
0x77: {  	_ =	shalt  }
0x78: {  	_ =	shalt  }
0x79: {  	_ =	shalt  }
0x7a: {  	_ =	shalt  }
0x7b: {  	_ =	shalt  }
0x7c: {  	_ =	shalt  }
0x7d: {  	_ =	shalt  }
0x7e: {  	_ =	shalt  }
0x7f: {  	_ =	shalt  }
0x80: {  	_ =	shalt  }
0x81: {  	_ =	shalt  }
0x82: {  	_ =	shalt  }
0x83: {  	_ =	shalt  }
0x84: {  	_ =	shalt  }
0x85: {  	_ =	shalt  }
0x86: {  	_ =	shalt  }
0x87: {  	_ =	shalt  }
.Lfunc_end0:
.L_simem_size_0:
called_computation.2_lowered:
.L_overlay_start_0:
0x88: {  	s2 =	sld [smem:$0x3FD9]  }
0x89: {  	s3 =	sld [smem:$0x3FFE];
	_ =	sdelay $0x1  }
0x8a: {  	s1 =	srdreg.scid  }
0x8b: {  	s0 =	sand.u32 $0x1, s1  }
0x8c: {  	s16 =	sshll.u32 s0, $0xA;
	s2 =	sadd.s32 s3, s2  }
0x8d: {  	s2 =	sadd.s32 s2, s16  }
0x8e: {  	[smem:$0x3FBE] =	sst s2  }
0x8f: {  	_ = 	snop  }
0x90: {  	(tm) =	ssettm $0x1  }
0x91: {  	s17 =	sld [smem:$0x3FFB];
	_ =	sdelay $0x3  }
0x92: {  	_ =	strace s17  }
0x93: {  	s2 =	sld [smem:$0x3FFC];
	_ =	sdelay $0x3  }
0x94: {  	_ =	strace s2  }
0x95: {  	s2 =	sld [smem:$0x3FFD];
	_ =	sdelay $0x3  }
0x96: {  	_ =	strace s2  }
0x97: {  	_ =	strace $0x8FFFFFFF  }
0x98: {  	s18 =	sld [smem:$0x3FDB];
	_ =	sdelay $0x1  }
0x99: {  	s19 =	simm.s32 $_scs_section_size  }
0x9a: {  	s4 =	simm.s32 $_size__tile_overlayer_lowered;
	s5 =	simm.s32 $_tile_overlayer_lowered  }
0x9b: {  	s22 =	simm.s32 $0x1BFF;
	s21 =	sshll.u32 s5, $0x1;
	s2 =	sadd.s32 s19, s18  }
0x9c: {  	s6 =	simm.s32 $0x0;
	s20 =	sshll.u32 s4, $0x1;
	s4 =	sadd.s32 s21, s2  }
0x9d: {  	[timem:s6], [sflag:s22] =	dma.local [hbm:s4], s20  }
0x9e: {  	_ =	swait.ge [sflag:s22], s20  }
0x9f: {  	s3 =	ssub.s32 $0x0, s20;
	[sflag:s22] =	ssyncset.done $0x0  }
0xa0: {  	[sflag:s22] =	ssyncadd.s32 s3;
	_ =	sdelay $0x1  }
0xa1: {  	s23 =	simm.s32 $0x1B8B  }
0xa2: {  	_ =	swait.ge [sflag:s23], $0x1  }
0xa3: {  	[sflag:s23] =	ssyncset.done $0x0  }
0xa4: {  	s25 =	simm.s32 $0x1B8E;
	s24 =	sld [smem:$0x3FFE];
	[sflag:s23] =	ssyncadd.s32 $0xFFFFFFFF  }
0xa5: {  	s26 =	simm.s32 $execute0_lowered;
	[smem:$0x3FD2] =	sst s25  }
0xa6: {  	s4 =	sshll.u32 s26, $0x1;
	_ =	strace $0x8000004C;
	[dreg:$0x1] =	wrdreg $0xFFFFFFFF  }
0xa7: {  	s28 =	simm.s32 $_size_execute0_lowered;
	s2 =	sadd.s32 s2, s4;
	[dreg:$0x0] =	wrdreg $0x0  }
0xa8: {  	s4 =	sshll.u32 s28, $0x1;
	[dreg:$0x2] =	wrdreg s2  }
0xa9: {  	[dreg:$0x3] =	wrdreg s4  }
0xaa: {  	[dreg:$0x4] =	wrdreg $0xC0  }
0xab: {  	_ =	task [dreg:s6], $0x5FFFF  }
0xac: {  	[dreg:$0x1] =	wrdreg $0xFFFFFFFF  }
0xad: {  	[dreg:$0x0] =	wrdreg $0x60  }
0xae: {  	[dreg:$0x2] =	wrdreg s24  }
0xaf: {  	[dreg:$0x3] =	wrdreg $0xA8000  }
0xb0: {  	[dreg:$0x4] =	wrdreg $0x9  }
0xb1: {  	_ =	task.clear_ibuf [dreg:s6], $0x5FFFF;
	_ =	strace $0x9000004C  }
0xb2: {  	s29 =	simm.s32 $0x9;
	_ =	strace $0x8000004E  }
0xb3: {  	_ =	swait.ge [sflag:s29], $0x1  }
0xb4: {  	[sflag:s29] =	ssyncadd.s32 $0xFFFFFFFF  }
0xb5: {  	_ =	strace $0x9000004E  }
0xb6: {  	_ =	sfence  }
0xb7: {  	s30 =	sld [smem:$0x0];
	_ =	sdelay $0x2  }
0xb8: {  	s31 =	sshll.u32 s1, $0xD;
	s1 =	sshrl.u32 s1, $0x2  }
0xb9: {  	s3 =	sand.u32 $0x4000, s31;
	s1 =	sadd.s32 s1, s30  }
0xba: {  	s0 =	sor.u32 s3, s0;
	s1 =	sshll.u32 s1, $0x11  }
0xbb: {  	s0 =	sor.u32 s1, s0  }
0xbc: {  	s0 =	sadd.s32 $0x8F2B, s0  }
0xbd: {  	[sflag:s0] =	ssyncadd.remote.s32 $0x1  }
0xbe: {  	_ =	sfence.sel $0xFFFF  }
0xbf: {  	[dreg:$0x0] =	wrdreg $0xFFFFFFFF;
	(pc) =	sbr.abs _section_cstart, $3  }
0xc0: {  	[dreg:$0x1] =	wrdreg $0xFFFFFFFF  }
0xc1: {  	_ =	task.clear_ibuf [dreg:s6], $0x2FFFF;
	_ =	strace $0x9FFFFFFF  }
0xc2: {  	(tm) =	ssettm $0x7FFFFFFF  }
0xc3: {  	_ =	shalt  }
tec
execute0_lowered:
.L_overlay_start_1:
0x0: {  	(tag) =	ssettag $0x1  }
0x1: {  	s1 =	srdreg.scid;
	s6 =	rddreg [dreg:$0x0]  }
0x2: {  	s0 =	stileid.u32;
	s7 =	rddreg [dreg:$0x1];
	s2 =	simm.s32 $0x0  }
0x3: {  	s14 =	simm.s32 $0x1400;
	s15 =	simm.s32 $0x80;
	s16 =	simm.s32 $0x2800  }
0x4: {  	s17 =	simm.s32 $0x6800;
	s18 =	simm.s32 $0x1;
	s19 =	simm.s32 $0x2  }
0x5: {  	s20 =	simm.s32 $0x0;
	s5 =	sand.u32 $0x1, s1;
	s9 =	smul.u32 $0x14000, s0  }
0x6: {  	s26 =	sshll.u32 s0, $0x1;
	[smem:$0x7FF] =	sst s2;
	s10 =	smul.u32 $0x50000, s0  }
0x7: {  	s3 =	sadd.s32 $0x16A00, s6;
	s1 =	sor.u32 s5, s26;
	s8 =	smul.u32 $0x140000, s5  }
0x8: {  	s31 =	sshll.u32 s0, $0x6;
	s5 =	ssub.s32 $0x2, s5;
	s4 =	smul.u32 $0x2800, s1  }
0x9: {  	s1 =	rddreg [dreg:$0x2];
	_ =	strace $0x8000004D;
	s29 =	sshrl.u32 s5, $0x1  }
0xa: {  	s30 =	sshrl.u32 s10, $0x2;
	s8 =	sadd.s32 s9, s8;
	s12 =	ssub.s32 s5, s29  }
0xb: {  	s13 =	sadd.s32 s30, s7;
	s5 =	sor.u32 $0x1C03, s31;
	s4 =	sshrl.u32 s4, $0x3  }
0xc: {  	s8 =	sshrl.u32 s8, $0x3;
	s28 =	sadd.s32 s4, s6;
	s4 =	sadd.s32 $0x3EA00, s6  }
0xd: {  	s11 =	sadd.s32 s8, s6;
	s6 =	sadd.s32 $0x2A00, s28;
	s7 =	sadd.s32 $0xCA00, s28  }
0xe: {  	s8 =	sadd.s32 $0x2C80, s28;
	s9 =	sadd.s32 $0xCC80, s28;
	s10 =	sadd.s32 $0x41200, s11  }
0xf: {  	s11 =	smax.u32 s12, $0x1;
	s12 =	sshrl.u32 s13, $0x3;
	s13 =	simm.s32 $0x3  }
.LBB2_1:
0x10: {  	[spmem:s12], [sflag:s5] =	dma.local [hbm:s4], $0x2800  }
0x11: {  	_ =	swait.ge [sflag:s13], $0x2800  }
0x12: {  	[sflag:s13] =	ssyncset.done $0x0  }
0x13: {  	[sflag:s13] =	ssyncadd.s32 $0xFFFFD800  }
0x14: {  	[bflag:$0x0] =	sbarrier.arrive $0xFFFF  }
0x15: {  	[tilespmem:s2], [sflag:$0x3] =	stream.linear.gather [hbm4b:s6+s2], $0x1400, $0x38;
	[tilespmem:$0x1E800] =	vst v63  }
0x16: {  	_ =	swait.ge [sflag:s13], $0x1400  }
0x17: {  	[sflag:s13] =	ssyncset.done $0x0  }
0x18: {  	[sflag:s13] =	ssyncadd.s32 $0xFFFFEC00  }
0x19: {  	[tilespmem:s14], [sflag:$0x3] =	stream.linear.gather [hbm4b:s7+s2], $0x1400, $0x38;
	[tilespmem:$0x1E800] =	vst v63  }
0x1a: {  	_ =	swait.ge [sflag:s13], $0x1400  }
0x1b: {  	[sflag:s13] =	ssyncset.done $0x0  }
0x1c: {  	[sflag:s13] =	ssyncadd.s32 $0xFFFFEC00  }
0x1d: {  	[tilespmem:s16], [sflag:$0x1] =	stream.indirect.gather [hbm4b:s3+s15], $0x80, s2, s15, $0xb8;
	[tilespmem:$0x1E800] =	vst v63  }
0x1e: {  	_ = 	snop  }
0x1f: {  	[tilespmem:s17], [sflag:$0x2] =	stream.indirect.gather [hbm4b:s3+s15], $0x80, s15, s15, $0xb8;
	[tilespmem:$0x1E800] =	vst v63  }
0x20: {  	_ =	swait.ge [sflag:s18], $0x4000  }
0x21: {  	[sflag:s18] =	ssyncset.done $0x0  }
0x22: {  	[sflag:s18] =	ssyncadd.s32 $0xFFFFC000  }
0x23: {  	_ =	swait.ge [sflag:s19], $0x4000  }
0x24: {  	[sflag:s19] =	ssyncset.done $0x0  }
0x25: {  	s21 =	simm.s32 $0x100;
	[sflag:s19] =	ssyncadd.s32 $0xFFFFC000  }
0x26: {  	[tilespmem:s16], [sflag:$0x1] =	stream.indirect.gather [hbm4b:s3+s15], $0x80, s21, s15, $0xb8;
	[tilespmem:$0x1E800] =	vst v63  }
0x27: {  	s22 =	simm.s32 $0x180;
	s21 =	simm.s32 $0xFFFFB800  }
.LBB2_2:
0x28: {  	[tilespmem:s17], [sflag:$0x2] =	stream.indirect.gather [hbm4b:s3+s15], $0x80, s22, s15, $0xb8;
	[tilespmem:$0x1E800] =	vst v63  }
0x29: {  	s22 =	smov.u32 s21  }
0x2a: {  	p0 =	sne.s32 s21, $0xFFFFFC00;
	s21 =	sadd.s32 $0x400, s21;
	_ =	swait.ge [sflag:s18], $0x4000  }
0x2b: {  	[sflag:s18] =	ssyncset.done $0x0  }
0x2c: {  	[sflag:s18] =	ssyncadd.s32 $0xFFFFC000  }
.Ltmp0:
0x2d: {  	_ =	swait.ge [sflag:s19], $0x4000;
	(pc) =	sbr.rel @p0 .LBB2_2-.Ltmp0, $4  }
0x2e: {  	s22 =	sshra.s32 s22, $0x2;
	[sflag:s19] =	ssyncset.done $0x0  }
0x2f: {  	s23 =	sadd.s32 $0x1400, s22;
	[sflag:s19] =	ssyncadd.s32 $0xFFFFC000  }
0x30: {  	[tilespmem:s16], [sflag:$0x1] =	stream.indirect.gather [hbm4b:s3+s15], $0x80, s23, s15, $0xb8;
	[tilespmem:$0x1E800] =	vst v63  }
0x31: {  	s22 =	sadd.s32 $0x1480, s22  }
0x32: {  	[tilespmem:s17], [sflag:$0x2] =	stream.indirect.gather [hbm4b:s3+s15], $0x80, s22, s15, $0xb8;
	[tilespmem:$0x1E800] =	vst v63  }
0x33: {  	_ =	swait.ge [sflag:s18], $0x4000  }
0x34: {  	[sflag:s18] =	ssyncset.done $0x0  }
0x35: {  	[sflag:s18] =	ssyncadd.s32 $0xFFFFC000  }
0x36: {  	_ =	swait.ge [sflag:s19], $0x4000  }
0x37: {  	[sflag:s19] =	ssyncset.done $0x0  }
0x38: {  	[sflag:s19] =	ssyncadd.s32 $0xFFFFC000  }
0x39: {  	[tilespmem:s2], [sflag:$0x3] =	stream.linear.gather [hbm4b:s8+s2], $0x1400, $0x38;
	[tilespmem:$0x1E800] =	vst v63  }
0x3a: {  	_ =	swait.ge [sflag:s13], $0x1400  }
0x3b: {  	[sflag:s13] =	ssyncset.done $0x0  }
0x3c: {  	[sflag:s13] =	ssyncadd.s32 $0xFFFFEC00  }
0x3d: {  	[tilespmem:s14], [sflag:$0x3] =	stream.linear.gather [hbm4b:s9+s2], $0x1400, $0x38;
	[tilespmem:$0x1E800] =	vst v63  }
0x3e: {  	_ =	swait.ge [sflag:s13], $0x1400  }
0x3f: {  	[sflag:s13] =	ssyncset.done $0x0  }
0x40: {  	[sflag:s13] =	ssyncadd.s32 $0xFFFFEC00  }
0x41: {  	[tilespmem:s16], [sflag:$0x1] =	stream.indirect.gather [hbm4b:s3+s15], $0x80, s2, s15, $0xb8;
	[tilespmem:$0x1E800] =	vst v63  }
0x42: {  	_ = 	snop  }
0x43: {  	[tilespmem:s17], [sflag:$0x2] =	stream.indirect.gather [hbm4b:s3+s15], $0x80, s15, s15, $0xb8;
	[tilespmem:$0x1E800] =	vst v63  }
0x44: {  	_ =	swait.ge [sflag:s18], $0x4000  }
0x45: {  	[sflag:s18] =	ssyncset.done $0x0  }
0x46: {  	[sflag:s18] =	ssyncadd.s32 $0xFFFFC000  }
0x47: {  	_ =	swait.ge [sflag:s19], $0x4000  }
0x48: {  	[sflag:s19] =	ssyncset.done $0x0  }
0x49: {  	s21 =	simm.s32 $0x100;
	[sflag:s19] =	ssyncadd.s32 $0xFFFFC000  }
0x4a: {  	[tilespmem:s16], [sflag:$0x1] =	stream.indirect.gather [hbm4b:s3+s15], $0x80, s21, s15, $0xb8;
	[tilespmem:$0x1E800] =	vst v63  }
0x4b: {  	s22 =	simm.s32 $0x180;
	s21 =	simm.s32 $0xFFFFB800  }
.LBB2_4:
0x4c: {  	[tilespmem:s17], [sflag:$0x2] =	stream.indirect.gather [hbm4b:s3+s15], $0x80, s22, s15, $0xb8;
	[tilespmem:$0x1E800] =	vst v63  }
0x4d: {  	s22 =	smov.u32 s21  }
0x4e: {  	p0 =	sne.s32 s21, $0xFFFFFC00;
	s21 =	sadd.s32 $0x400, s21;
	_ =	swait.ge [sflag:s18], $0x4000  }
0x4f: {  	[sflag:s18] =	ssyncset.done $0x0  }
0x50: {  	[sflag:s18] =	ssyncadd.s32 $0xFFFFC000  }
.Ltmp1:
0x51: {  	_ =	swait.ge [sflag:s19], $0x4000;
	(pc) =	sbr.rel @p0 .LBB2_4-.Ltmp1, $4  }
0x52: {  	s22 =	sshra.s32 s22, $0x2;
	[sflag:s19] =	ssyncset.done $0x0  }
0x53: {  	s23 =	sadd.s32 $0x1400, s22;
	[sflag:s19] =	ssyncadd.s32 $0xFFFFC000  }
0x54: {  	[tilespmem:s16], [sflag:$0x1] =	stream.indirect.gather [hbm4b:s3+s15], $0x80, s23, s15, $0xb8;
	[tilespmem:$0x1E800] =	vst v63  }
0x55: {  	s22 =	sadd.s32 $0x1480, s22  }
0x56: {  	[tilespmem:s17], [sflag:$0x2] =	stream.indirect.gather [hbm4b:s3+s15], $0x80, s22, s15, $0xb8;
	[tilespmem:$0x1E800] =	vst v63  }
0x57: {  	_ =	swait.ge [sflag:s18], $0x4000  }
0x58: {  	[sflag:s18] =	ssyncset.done $0x0  }
0x59: {  	[sflag:s18] =	ssyncadd.s32 $0xFFFFC000  }
0x5a: {  	_ =	swait.ge [sflag:s19], $0x4000  }
0x5b: {  	s20 =	sadd.s32 $0x1, s20;
	[sflag:s19] =	ssyncset.done $0x0  }
0x5c: {  	p0 =	sne.s32 s20, s11;
	[sflag:s19] =	ssyncadd.s32 $0xFFFFC000  }
.Ltmp2:
0x5d: {  	[bflag:$0x0] =	sbarrier.arrive $0xFFFF;
	(pc) =	sbr.rel @p0 .LBB2_1-.Ltmp2, $4  }
0x5e: {  	[hbm:s10], [sflag:s5] =	dma.local [spmem:s12], $0x2800  }
0x5f: {  	_ =	swait.ge [sflag:s13], $0x2800  }
0x60: {  	[sflag:s13] =	ssyncset.done $0x0  }
0x61: {  	[sflag:s13] =	ssyncadd.s32 $0xFFFFD800  }
0x62: {  	_ =	sfence.sel $0x180000  }
0x63: {  	[bflag:$0x0] =	sbarrier.arrive $0xFFFF  }
0x64: {  	p0 =	sne.s32 s0, $0x0;
	_ =	strace $0x9000004D  }
0x65: {  	s0 =	sadd.s32 @!p0 $0x100000, s1;
	[bflag:$0x2] =	sbarrier.arrive $0xFFFF  }
0x66: {  	[sflag:s0] =	ssyncadd.tile.s32 @!p0 $0x1;
	_ =	shalt  }
.Lfunc_end2:
_tile_overlayer_lowered:
.L_overlay_start_2:
0x67: {  	(tag) =	ssettag $0x2  }
0x68: {  	s0 =	rddreg [dreg:$0x0];
	s2 =	stileid.u32  }
0x69: {  	s1 =	rddreg [dreg:$0x1];
	p0 =	sne.s32 s2, $0x0  }
0x6a: {  	s3 =	rddreg [dreg:$0x2];
	[bflag:$0x3] =	sbarrier.arrive $0xFFFF;
	s2 =	simm.s32 @!p0 $0x1C03  }
0x6b: {  	[timem:s3], [sflag:s2] =	dma.local @!p0 [hbm:s0], s1  }
0x6c: {  	s0 =	simm.s32 @!p0 $0x3  }
0x6d: {  	_ =	swait.ge @!p0 [sflag:s0], s1  }
0x6e: {  	s1 =	ssub.s32 @!p0 $0x0, s1;
	[sflag:s0] =	ssyncset.done @!p0 $0x0  }
0x6f: {  	[sflag:s0] =	ssyncadd.s32 @!p0 s1  }
0x70: {  	[bflag:$0x3] =	sbarrier.arrive $0xFFFF  }
0x71: {  	_ =	shalt  }

// kernel: kernel.8.cloned.1.call-start
scs
__scs_entry_jumppad:
0x0: {  	(pc) =	sbr.rel $0x88, $3  }
0x1: {  	(tag) =	ssettag $0x0;
	lr =	simm.s32 $0x1  }
0x2: {  	[smem:$0x3F97] =	sst lr;
	_ =	strace $0xD0000000  }
0x3: {  	_ = 	snop  }
0x4: {  	_ = 	snop  }
0x5: {  	_ = 	snop  }
0x6: {  	_ = 	snop  }
0x7: {  	_ = 	snop  }
__scs_overlays_trampoline_lowered:
0x8: {  	[smem:$0x3FA6] =	sst s0  }
0x9: {  	[smem:$0x3FA7] =	sst s1  }
0xa: {  	[smem:$0x3FA8] =	sst s2  }
0xb: {  	[smem:$0x3FA9] =	sst s3  }
0xc: {  	[smem:$0x3FAA] =	sst s4  }
0xd: {  	[smem:$0x3FAB] =	sst s5  }
0xe: {  	[smem:$0x3FAC] =	sst s6  }
0xf: {  	[smem:$0x3FAD] =	sst s7  }
0x10: {  	[smem:$0x3FAE] =	sst s8  }
0x11: {  	[smem:$0x3FAF] =	sst s9;
	s0 =	simm.s32 @!p0 $0x0  }
0x12: {  	s1 =	sld [smem:$0x3F95];
	s0 =	simm.s32 @p0 $0x1  }
0x13: {  	[smem:$0x3FB0] =	sst s0;
	s0 =	simm.s32 @!p1 $0x0  }
0x14: {  	s2 =	sld [smem:$0x3F94];
	s0 =	simm.s32 @p1 $0x1  }
0x15: {  	[smem:$0x3FB1] =	sst s0;
	s0 =	simm.s32 @!p2 $0x0  }
0x16: {  	s3 =	sld [smem:$0x3FDB];
	s0 =	simm.s32 @p2 $0x1  }
0x17: {  	s4 =	simm.s32 $0x1BF5;
	[smem:$0x3FB3] =	sst s0  }
0x18: {  	s0 =	sld [smem:$0x3F96];
	_ =	swait.ge [sflag:s4], $0x0  }
0x19: {  	s7 =	sld [smem:$0x3F97]  }
0x1a: {  	s8 =	sadd.s32 $0xFFFFE003, lr  }
0x1b: {  	s9 =	sadd.s32 $0xFFFFFEF7, lr;
	s5 =	simm.s32 $0xFFFFFFFF;
	p2 =	slt.u32 s8, $0xFFFFF086  }
0x1c: {  	p1 =	slt.u32 s9, $0xF7A;
	s5 =	simm.s32 @!p2 $0x0  }
0x1d: {  	s5 =	simm.s32 @p1 $0x1;
	p0 =	seq.s32 s7, s2  }
0x1e: {  	s7 =	smul.u32 @!p0 $0xF7A, s2;
	p2 =	seq.s32 @!p0 s5, $0x0  }
0x1f: {  	s9 =	smul.u32 $0xF7A, s1;
	s8 =	simm.s32 @!p0 $0x1BF5;
	p2 =	por !p2, p0  }
0x20: {  	[sflag:s8] =	ssyncset.s32 @!p0 $0xFFFFF086;
	s6 =	sadd.s32 @!p0 s3, s7;
	s7 =	simm.s32 @!p0 $0x108  }
0x21: {  	s3 =	sadd.s32 s3, s9;
	s6 =	sadd.s32 @!p0 $0x88, s6;
	s7 =	simm.s32 @p2 $0x1082  }
0x22: {  	[simem:s7], [sflag:s8] =	dma.local @!p0 [hbm:s6], $0xF7A  }
0x23: {  	s9 =	sor.u32 $0xD0000000, s2;
	s6 =	simm.s32 $0x108;
	_ =	swait.ge @!p0 [sflag:s8], $0x0  }
0x24: {  	s3 =	sadd.s32 $0x88, s3;
	s6 =	simm.s32 @!p1 $0x1082;
	[sflag:s4] =	ssyncset.s32 $0xFFFFF086  }
0x25: {  	[simem:s6], [sflag:s4] =	dma.local [hbm:s3], $0xF7A  }
0x26: {  	[smem:$0x3F97] =	sst s1;
	(tag) =	ssettag s2;
	_ =	strace s9  }
0x27: {  	s1 =	sld [smem:$0x3FA7]  }
0x28: {  	s2 =	sld [smem:$0x3FA8]  }
0x29: {  	s4 =	sld [smem:$0x3FAA]  }
0x2a: {  	p0 =	seq.s32 s5, $0x0;
	s5 =	sld [smem:$0x3FAB]  }
0x2b: {  	s6 =	sld [smem:$0x3FAC]  }
0x2c: {  	s7 =	sld [smem:$0x3FAD]  }
0x2d: {  	s3 =	simm.s32 $0x108;
	s8 =	sld [smem:$0x3FAE]  }
0x2e: {  	s3 =	simm.s32 @!p0 $0x1082;
	s9 =	sld [smem:$0x3FAF]  }
0x2f: {  	lr =	sadd.s32 s0, s3;
	s0 =	sld [smem:$0x3FA6]  }
0x30: {  	s3 =	sld [smem:$0x3FA9]  }
0x31: {  	[smem:$0x3FB2] =	sst s10  }
0x32: {  	s10 =	sld [smem:$0x3FB0];
	_ =	sdelay $0x3  }
0x33: {  	p0 =	seq.s32 s10, $0x1;
	s10 =	sld [smem:$0x3FB2];
	_ =	sdelay $0x3  }
0x34: {  	[smem:$0x3FB2] =	sst s10  }
0x35: {  	s10 =	sld [smem:$0x3FB1];
	_ =	sdelay $0x3  }
0x36: {  	p1 =	seq.s32 s10, $0x1;
	s10 =	sld [smem:$0x3FB2];
	_ =	sdelay $0x3  }
0x37: {  	[smem:$0x3FB2] =	sst s10  }
0x38: {  	s10 =	sld [smem:$0x3FB3]  }
0x39: {  	_ = 	snop;
	(pc) =	sbr.ind lr, $3  }
0x3a: {  	_ = 	snop  }
0x3b: {  	_ = 	snop  }
0x3c: {  	p2 =	seq.s32 s10, $0x1;
	s10 =	sld [smem:$0x3FB2]  }
0x3d: {  	_ =	shalt  }
0x3e: {  	_ =	shalt  }
0x3f: {  	_ =	shalt  }
0x40: {  	_ =	shalt  }
0x41: {  	_ =	shalt  }
0x42: {  	_ =	shalt  }
0x43: {  	_ =	shalt  }
0x44: {  	_ =	shalt  }
0x45: {  	_ =	shalt  }
0x46: {  	_ =	shalt  }
0x47: {  	_ =	shalt  }
0x48: {  	_ =	shalt  }
0x49: {  	_ =	shalt  }
0x4a: {  	_ =	shalt  }
0x4b: {  	_ =	shalt  }
0x4c: {  	_ =	shalt  }
0x4d: {  	_ =	shalt  }
0x4e: {  	_ =	shalt  }
0x4f: {  	_ =	shalt  }
0x50: {  	_ =	shalt  }
0x51: {  	_ =	shalt  }
0x52: {  	_ =	shalt  }
0x53: {  	_ =	shalt  }
0x54: {  	_ =	shalt  }
0x55: {  	_ =	shalt  }
0x56: {  	_ =	shalt  }
0x57: {  	_ =	shalt  }
0x58: {  	_ =	shalt  }
0x59: {  	_ =	shalt  }
0x5a: {  	_ =	shalt  }
0x5b: {  	_ =	shalt  }
0x5c: {  	_ =	shalt  }
0x5d: {  	_ =	shalt  }
0x5e: {  	_ =	shalt  }
0x5f: {  	_ =	shalt  }
0x60: {  	_ =	shalt  }
0x61: {  	_ =	shalt  }
0x62: {  	_ =	shalt  }
0x63: {  	_ =	shalt  }
0x64: {  	_ =	shalt  }
0x65: {  	_ =	shalt  }
0x66: {  	_ =	shalt  }
0x67: {  	_ =	shalt  }
0x68: {  	_ =	shalt  }
0x69: {  	_ =	shalt  }
0x6a: {  	_ =	shalt  }
0x6b: {  	_ =	shalt  }
0x6c: {  	_ =	shalt  }
0x6d: {  	_ =	shalt  }
0x6e: {  	_ =	shalt  }
0x6f: {  	_ =	shalt  }
0x70: {  	_ =	shalt  }
0x71: {  	_ =	shalt  }
0x72: {  	_ =	shalt  }
0x73: {  	_ =	shalt  }
0x74: {  	_ =	shalt  }
0x75: {  	_ =	shalt  }
0x76: {  	_ =	shalt  }
0x77: {  	_ =	shalt  }
0x78: {  	_ =	shalt  }
0x79: {  	_ =	shalt  }
0x7a: {  	_ =	shalt  }
0x7b: {  	_ =	shalt  }
0x7c: {  	_ =	shalt  }
0x7d: {  	_ =	shalt  }
0x7e: {  	_ =	shalt  }
0x7f: {  	_ =	shalt  }
0x80: {  	_ =	shalt  }
0x81: {  	_ =	shalt  }
0x82: {  	_ =	shalt  }
0x83: {  	_ =	shalt  }
0x84: {  	_ =	shalt  }
0x85: {  	_ =	shalt  }
0x86: {  	_ =	shalt  }
0x87: {  	_ =	shalt  }
.Lfunc_end0:
.L_simem_size_0:
called_computation_lowered:
.L_overlay_start_0:
0x88: {  	s2 =	sld [smem:$0x3FD9]  }
0x89: {  	s3 =	sld [smem:$0x3FFE];
	_ =	sdelay $0x1  }
0x8a: {  	s1 =	srdreg.scid  }
0x8b: {  	s0 =	sand.u32 $0x1, s1  }
0x8c: {  	s17 =	sshll.u32 s0, $0xA;
	s2 =	sadd.s32 s3, s2  }
0x8d: {  	s2 =	sadd.s32 s2, s17  }
0x8e: {  	[smem:$0x3FBE] =	sst s2  }
0x8f: {  	_ = 	snop  }
0x90: {  	s2 =	sld [smem:$0x3FD0];
	(tm) =	ssettm $0x1  }
0x91: {  	s18 =	sld [smem:$0x3FFB];
	_ =	sdelay $0x3  }
0x92: {  	_ =	strace s18  }
0x93: {  	s3 =	sld [smem:$0x3FFC];
	_ =	sdelay $0x3  }
0x94: {  	_ =	strace s3  }
0x95: {  	s3 =	sld [smem:$0x3FFD];
	_ =	sdelay $0x3  }
0x96: {  	_ =	strace s3  }
0x97: {  	_ =	strace $0x8FFFFFFF  }
0x98: {  	s19 =	sld [smem:$0x3FDB];
	_ =	sdelay $0x1  }
0x99: {  	s4 =	simm.s32 $_scs_section_size  }
0x9a: {  	s5 =	simm.s32 $_size__tile_overlayer_lowered;
	s6 =	simm.s32 $_tile_overlayer_lowered  }
0x9b: {  	s22 =	simm.s32 $0x1BFF;
	s21 =	sshll.u32 s6, $0x1;
	s3 =	sadd.s32 s4, s19  }
0x9c: {  	s7 =	simm.s32 $0x0;
	s20 =	sshll.u32 s5, $0x1;
	s5 =	sadd.s32 s21, s3  }
0x9d: {  	[timem:s7], [sflag:s22] =	dma.local [hbm:s5], s20  }
0x9e: {  	_ =	swait.ge [sflag:s22], s20  }
0x9f: {  	s4 =	ssub.s32 $0x0, s20;
	[sflag:s22] =	ssyncset.done $0x0  }
0xa0: {  	[sflag:s22] =	ssyncadd.s32 s4;
	_ =	sdelay $0x1  }
0xa1: {  	s23 =	simm.s32 $0x1B8B  }
0xa2: {  	_ =	swait.ge [sflag:s23], $0x1  }
0xa3: {  	[sflag:s23] =	ssyncset.done $0x0  }
0xa4: {  	s25 =	simm.s32 $0x1B8E;
	s24 =	sld [smem:$0x3FFE];
	[sflag:s23] =	ssyncadd.s32 $0xFFFFFFFF  }
0xa5: {  	s26 =	simm.s32 $execute0_lowered;
	[smem:$0x3FD2] =	sst s25  }
0xa6: {  	s5 =	sshll.u32 s26, $0x1;
	_ =	strace $0x80000046;
	[dreg:$0x1] =	wrdreg $0xFFFFFFFF  }
0xa7: {  	s28 =	simm.s32 $_size_execute0_lowered;
	s3 =	sadd.s32 s3, s5;
	[dreg:$0x0] =	wrdreg $0x0  }
0xa8: {  	s5 =	sshll.u32 s28, $0x1;
	[dreg:$0x2] =	wrdreg s3  }
0xa9: {  	[dreg:$0x3] =	wrdreg s5  }
0xaa: {  	[dreg:$0x4] =	wrdreg $0xC0  }
0xab: {  	_ =	task [dreg:s7], $0x5FFFF  }
0xac: {  	[dreg:$0x1] =	wrdreg $0xFFFFFFFF  }
0xad: {  	[dreg:$0x0] =	wrdreg $0x60  }
0xae: {  	[dreg:$0x2] =	wrdreg s24  }
0xaf: {  	[dreg:$0x3] =	wrdreg s2  }
0xb0: {  	[dreg:$0x4] =	wrdreg $0x28800  }
0xb1: {  	[dreg:$0x5] =	wrdreg $0x9  }
0xb2: {  	_ =	task.clear_ibuf [dreg:s7], $0x6FFFF;
	_ =	strace $0x90000046  }
0xb3: {  	s29 =	simm.s32 $0x9;
	_ =	strace $0x80000048  }
0xb4: {  	_ =	swait.ge [sflag:s29], $0x1  }
0xb5: {  	[sflag:s29] =	ssyncadd.s32 $0xFFFFFFFF  }
0xb6: {  	_ =	strace $0x90000048  }
0xb7: {  	_ =	sfence  }
0xb8: {  	s30 =	sld [smem:$0x0];
	_ =	sdelay $0x2  }
0xb9: {  	s31 =	sshll.u32 s1, $0xD;
	s1 =	sshrl.u32 s1, $0x2  }
0xba: {  	s3 =	sand.u32 $0x4000, s31;
	s1 =	sadd.s32 s1, s30  }
0xbb: {  	s0 =	sor.u32 s3, s0;
	s1 =	sshll.u32 s1, $0x11  }
0xbc: {  	s0 =	sor.u32 s1, s0  }
0xbd: {  	s0 =	sadd.s32 $0x8F2B, s0  }
0xbe: {  	[sflag:s0] =	ssyncadd.remote.s32 $0x1  }
0xbf: {  	_ =	sfence.sel $0xFFFF  }
0xc0: {  	[dreg:$0x0] =	wrdreg $0xFFFFFFFF;
	(pc) =	sbr.abs _section_cstart, $3  }
0xc1: {  	[dreg:$0x1] =	wrdreg $0xFFFFFFFF  }
0xc2: {  	_ =	task.clear_ibuf [dreg:s7], $0x2FFFF;
	_ =	strace $0x9FFFFFFF  }
0xc3: {  	(tm) =	ssettm $0x7FFFFFFF  }
tec
execute0_lowered:
.L_overlay_start_1:
0x0: {  	(tag) =	ssettag $0x1  }
0x1: {  	s6 =	rddreg [dreg:$0x0]  }
0x2: {  	s1 =	rddreg [dreg:$0x1]  }
0x3: {  	s3 =	rddreg [dreg:$0x2]  }
0x4: {  	s0 =	rddreg [dreg:$0x3]  }
0x5: {  	s4 =	simm.s32 $0x0;
	s5 =	srdreg.scid;
	s2 =	stileid.u32  }
0x6: {  	s13 =	simm.s32 $0x80;
	s14 =	simm.s32 $0x1;
	s15 =	simm.s32 $0x20  }
0x7: {  	s16 =	simm.s32 $0x10;
	s17 =	simm.s32 $0x0;
	s7 =	sand.u32 $0x1, s5  }
0x8: {  	s29 =	smul.u32 $0x500, s2;
	s8 =	sshll.u32 s2, $0x1;
	[smem:$0x7FF] =	sst s4  }
0x9: {  	s5 =	sadd.s32 $0x16A00, s6;
	s10 =	smul.u32 $0xA00, s2;
	s31 =	sshll.u32 s2, $0x6  }
0xa: {  	s9 =	sshll.u32 s7, $0x7;
	s8 =	sor.u32 s7, s8;
	_ =	strace $0x80000047  }
0xb: {  	s7 =	ssub.s32 $0x2, s7;
	s9 =	sor.u32 s9, s29;
	s8 =	smul.u32 $0x2800, s8  }
0xc: {  	s11 =	sshrl.u32 s7, $0x1;
	s10 =	sshrl.u32 s10, $0x2;
	s9 =	sshrl.u32 s9, $0x3  }
0xd: {  	s30 =	ssub.s32 s7, s11;
	s12 =	sadd.s32 s10, s3;
	s10 =	simm.s32 $0x2  }
0xe: {  	s11 =	sor.u32 $0x1C02, s31;
	s9 =	sadd.s32 s9, s6;
	s8 =	sshrl.u32 s8, $0x3  }
0xf: {  	s12 =	sshrl.u32 s12, $0x3;
	s6 =	sadd.s32 s6, s8;
	s7 =	sadd.s32 $0x16C00, s9  }
0x10: {  	s8 =	smax.u32 s30, $0x1;
	s9 =	simm.s32 $0x2800;
	s6 =	sadd.s32 $0xCA00, s6  }
.LBB2_1:
0x11: {  	[tilespmem:s9], [sflag:$0x2] =	stream.linear.gather [hbm4b:s5+s4], $0x80, $0x38;
	[tilespmem:$0x2B00] =	vst v63  }
0x12: {  	_ =	swait.ge [sflag:s10], $0x80  }
0x13: {  	[sflag:s10] =	ssyncset.done $0x0  }
0x14: {  	[sflag:s10] =	ssyncadd.s32 $0xFFFFFF80  }
0x15: {  	[spmem:s12], [sflag:s11] =	dma.local [hbm:s1], $0x50  }
0x16: {  	_ =	swait.ge [sflag:s10], $0x50  }
0x17: {  	[sflag:s10] =	ssyncset.done $0x0  }
0x18: {  	[sflag:s10] =	ssyncadd.s32 $0xFFFFFFB0  }
0x19: {  	[tilespmem:s4], [sflag:$0x2] =	stream.linear.gather [hbm4b:s6+s4], $0x2800, $0x38;
	[tilespmem:$0x2B00] =	vst v63  }
0x1a: {  	_ =	swait.ge [sflag:s10], $0x2800  }
0x1b: {  	[sflag:s10] =	ssyncset.done $0x0  }
0x1c: {  	[sflag:s10] =	ssyncadd.s32 $0xFFFFD800  }
0x1d: {  	s18 =	simm.s32 $0x0;
	[bflag:$0x0] =	sbarrier.arrive $0xFFFF  }
0x1e: {  	[spmem:s3] =	stream.indirect.scatter.add.f32 [tilespmem:s9], [sflag:$0x1], $0x1, s18, s13, $0xb8;
	[tilespmem:$0x2B00] =	vst v63  }
0x1f: {  	s24 =	simm.s32 $0x80  }
0x20: {  	[spmem:s3] =	stream.indirect.scatter.add.f32 [tilespmem:s9], [sflag:$0x1], $0x1, s24, s13, $0xb8;
	[tilespmem:$0x2B00] =	vst v63  }
0x21: {  	s25 =	simm.s32 $0x100  }
0x22: {  	[spmem:s3] =	stream.indirect.scatter.add.f32 [tilespmem:s9], [sflag:$0x1], $0x1, s25, s13, $0xb8;
	[tilespmem:$0x2B00] =	vst v63  }
0x23: {  	s26 =	simm.s32 $0x180  }
0x24: {  	[spmem:s3] =	stream.indirect.scatter.add.f32 [tilespmem:s9], [sflag:$0x1], $0x1, s26, s13, $0xb8;
	[tilespmem:$0x2B00] =	vst v63  }
0x25: {  	s28 =	simm.s32 $0x200  }
0x26: {  	[spmem:s3] =	stream.indirect.scatter.add.f32 [tilespmem:s9], [sflag:$0x1], $0x1, s28, s13, $0xb8;
	[tilespmem:$0x2B00] =	vst v63  }
0x27: {  	s29 =	simm.s32 $0x280  }
0x28: {  	[spmem:s3] =	stream.indirect.scatter.add.f32 [tilespmem:s9], [sflag:$0x1], $0x1, s29, s13, $0xb8;
	[tilespmem:$0x2B00] =	vst v63  }
0x29: {  	s30 =	simm.s32 $0x300  }
0x2a: {  	[spmem:s3] =	stream.indirect.scatter.add.f32 [tilespmem:s9], [sflag:$0x1], $0x1, s30, s13, $0xb8;
	[tilespmem:$0x2B00] =	vst v63  }
0x2b: {  	s31 =	simm.s32 $0x380  }
0x2c: {  	[spmem:s3] =	stream.indirect.scatter.add.f32 [tilespmem:s9], [sflag:$0x1], $0x1, s31, s13, $0xb8;
	[tilespmem:$0x2B00] =	vst v63  }
0x2d: {  	_ =	swait.ge [sflag:s14], $0x80  }
0x2e: {  	[sflag:s14] =	ssyncset.done $0x0  }
0x2f: {  	[sflag:s14] =	ssyncadd.s32 $0xFFFFFF80  }
0x30: {  	_ =	swait.ge [sflag:s14], $0x80  }
0x31: {  	[sflag:s14] =	ssyncset.done $0x0  }
0x32: {  	[sflag:s14] =	ssyncadd.s32 $0xFFFFFF80  }
0x33: {  	_ =	swait.ge [sflag:s14], $0x80  }
0x34: {  	[sflag:s14] =	ssyncset.done $0x0  }
0x35: {  	[sflag:s14] =	ssyncadd.s32 $0xFFFFFF80  }
0x36: {  	_ =	swait.ge [sflag:s14], $0x80  }
0x37: {  	[sflag:s14] =	ssyncset.done $0x0  }
0x38: {  	[sflag:s14] =	ssyncadd.s32 $0xFFFFFF80  }
0x39: {  	_ =	swait.ge [sflag:s14], $0x80  }
0x3a: {  	[sflag:s14] =	ssyncset.done $0x0  }
0x3b: {  	[sflag:s14] =	ssyncadd.s32 $0xFFFFFF80  }
0x3c: {  	_ =	swait.ge [sflag:s14], $0x80  }
0x3d: {  	[sflag:s14] =	ssyncset.done $0x0  }
0x3e: {  	[sflag:s14] =	ssyncadd.s32 $0xFFFFFF80  }
0x3f: {  	_ =	swait.ge [sflag:s14], $0x80  }
0x40: {  	[sflag:s14] =	ssyncset.done $0x0  }
0x41: {  	[sflag:s14] =	ssyncadd.s32 $0xFFFFFF80  }
0x42: {  	_ =	swait.ge [sflag:s14], $0x80  }
0x43: {  	s20 =	simm.s32 $0x2000;
	s18 =	simm.s32 $0x1000;
	[sflag:s14] =	ssyncset.done $0x0  }
.LBB2_2:
0x44: {  	s21 =	sshra.s32 s18, $0x2  }
0x45: {  	[sflag:s14] =	ssyncadd.s32 $0xFFFFFF80;
	s18 =	smov.u32 s20;
	s19 =	sadd.s32 $0x1000, s20  }
0x46: {  	[spmem:s3] =	stream.indirect.scatter.add.f32 [tilespmem:s9], [sflag:$0x1], $0x1, s21, s13, $0xb8;
	[tilespmem:$0x2B00] =	vst v63  }
0x47: {  	p0 =	sne.s32 s20, $0x9000;
	s20 =	sadd.s32 $0x80, s21  }
0x48: {  	[spmem:s3] =	stream.indirect.scatter.add.f32 [tilespmem:s9], [sflag:$0x1], $0x1, s20, s13, $0xb8;
	[tilespmem:$0x2B00] =	vst v63  }
0x49: {  	s20 =	sadd.s32 $0x100, s21  }
0x4a: {  	[spmem:s3] =	stream.indirect.scatter.add.f32 [tilespmem:s9], [sflag:$0x1], $0x1, s20, s13, $0xb8;
	[tilespmem:$0x2B00] =	vst v63  }
0x4b: {  	s20 =	sadd.s32 $0x180, s21  }
0x4c: {  	[spmem:s3] =	stream.indirect.scatter.add.f32 [tilespmem:s9], [sflag:$0x1], $0x1, s20, s13, $0xb8;
	[tilespmem:$0x2B00] =	vst v63  }
0x4d: {  	s20 =	sadd.s32 $0x200, s21  }
0x4e: {  	[spmem:s3] =	stream.indirect.scatter.add.f32 [tilespmem:s9], [sflag:$0x1], $0x1, s20, s13, $0xb8;
	[tilespmem:$0x2B00] =	vst v63  }
0x4f: {  	s20 =	sadd.s32 $0x280, s21  }
0x50: {  	[spmem:s3] =	stream.indirect.scatter.add.f32 [tilespmem:s9], [sflag:$0x1], $0x1, s20, s13, $0xb8;
	[tilespmem:$0x2B00] =	vst v63  }
0x51: {  	s20 =	sadd.s32 $0x300, s21  }
0x52: {  	[spmem:s3] =	stream.indirect.scatter.add.f32 [tilespmem:s9], [sflag:$0x1], $0x1, s20, s13, $0xb8;
	[tilespmem:$0x2B00] =	vst v63  }
0x53: {  	s20 =	sadd.s32 $0x380, s21  }
0x54: {  	[spmem:s3] =	stream.indirect.scatter.add.f32 [tilespmem:s9], [sflag:$0x1], $0x1, s20, s13, $0xb8;
	[tilespmem:$0x2B00] =	vst v63  }
0x55: {  	_ =	swait.ge [sflag:s14], $0x80  }
0x56: {  	[sflag:s14] =	ssyncset.done $0x0  }
0x57: {  	[sflag:s14] =	ssyncadd.s32 $0xFFFFFF80  }
0x58: {  	_ =	swait.ge [sflag:s14], $0x80  }
0x59: {  	[sflag:s14] =	ssyncset.done $0x0  }
0x5a: {  	[sflag:s14] =	ssyncadd.s32 $0xFFFFFF80  }
0x5b: {  	_ =	swait.ge [sflag:s14], $0x80  }
0x5c: {  	[sflag:s14] =	ssyncset.done $0x0  }
0x5d: {  	[sflag:s14] =	ssyncadd.s32 $0xFFFFFF80  }
0x5e: {  	_ =	swait.ge [sflag:s14], $0x80  }
0x5f: {  	[sflag:s14] =	ssyncset.done $0x0  }
0x60: {  	[sflag:s14] =	ssyncadd.s32 $0xFFFFFF80  }
0x61: {  	_ =	swait.ge [sflag:s14], $0x80  }
0x62: {  	[sflag:s14] =	ssyncset.done $0x0  }
0x63: {  	[sflag:s14] =	ssyncadd.s32 $0xFFFFFF80  }
0x64: {  	_ =	swait.ge [sflag:s14], $0x80  }
0x65: {  	[sflag:s14] =	ssyncset.done $0x0  }
0x66: {  	[sflag:s14] =	ssyncadd.s32 $0xFFFFFF80  }
.Ltmp0:
0x67: {  	_ =	swait.ge [sflag:s14], $0x80;
	(pc) =	sbr.rel @p0 .LBB2_2-.Ltmp0, $4  }
0x68: {  	[sflag:s14] =	ssyncset.done $0x0  }
0x69: {  	[sflag:s14] =	ssyncadd.s32 $0xFFFFFF80  }
0x6a: {  	_ =	swait.ge [sflag:s14], $0x80  }
0x6b: {  	s20 =	smov.u32 s19;
	[sflag:s14] =	ssyncset.done $0x0  }
0x6c: {  	s18 =	sshra.s32 s18, $0x2;
	[sflag:s14] =	ssyncadd.s32 $0xFFFFFF80  }
0x6d: {  	[spmem:s3] =	stream.indirect.scatter.add.f32 [tilespmem:s9], [sflag:$0x1], $0x1, s18, s13, $0xb8;
	[tilespmem:$0x2B00] =	vst v63  }
0x6e: {  	s19 =	sadd.s32 $0x80, s18  }
0x6f: {  	[spmem:s3] =	stream.indirect.scatter.add.f32 [tilespmem:s9], [sflag:$0x1], $0x1, s19, s13, $0xb8;
	[tilespmem:$0x2B00] =	vst v63  }
0x70: {  	s26 =	sadd.s32 $0x100, s18  }
0x71: {  	[spmem:s3] =	stream.indirect.scatter.add.f32 [tilespmem:s9], [sflag:$0x1], $0x1, s26, s13, $0xb8;
	[tilespmem:$0x2B00] =	vst v63  }
0x72: {  	s28 =	sadd.s32 $0x180, s18  }
0x73: {  	[spmem:s3] =	stream.indirect.scatter.add.f32 [tilespmem:s9], [sflag:$0x1], $0x1, s28, s13, $0xb8;
	[tilespmem:$0x2B00] =	vst v63  }
0x74: {  	s29 =	sadd.s32 $0x200, s18  }
0x75: {  	[spmem:s3] =	stream.indirect.scatter.add.f32 [tilespmem:s9], [sflag:$0x1], $0x1, s29, s13, $0xb8;
	[tilespmem:$0x2B00] =	vst v63  }
0x76: {  	s30 =	sadd.s32 $0x280, s18  }
0x77: {  	[spmem:s3] =	stream.indirect.scatter.add.f32 [tilespmem:s9], [sflag:$0x1], $0x1, s30, s13, $0xb8;
	[tilespmem:$0x2B00] =	vst v63  }
0x78: {  	s31 =	sadd.s32 $0x300, s18  }
0x79: {  	[spmem:s3] =	stream.indirect.scatter.add.f32 [tilespmem:s9], [sflag:$0x1], $0x1, s31, s13, $0xb8;
	[tilespmem:$0x2B00] =	vst v63  }
0x7a: {  	s18 =	sadd.s32 $0x380, s18  }
0x7b: {  	[spmem:s3] =	stream.indirect.scatter.add.f32 [tilespmem:s9], [sflag:$0x1], $0x1, s18, s13, $0xb8;
	[tilespmem:$0x2B00] =	vst v63  }
0x7c: {  	_ =	swait.ge [sflag:s14], $0x80  }
0x7d: {  	[sflag:s14] =	ssyncset.done $0x0  }
0x7e: {  	[sflag:s14] =	ssyncadd.s32 $0xFFFFFF80  }
0x7f: {  	_ =	swait.ge [sflag:s14], $0x80  }
0x80: {  	[sflag:s14] =	ssyncset.done $0x0  }
0x81: {  	[sflag:s14] =	ssyncadd.s32 $0xFFFFFF80  }
0x82: {  	_ =	swait.ge [sflag:s14], $0x80  }
0x83: {  	[sflag:s14] =	ssyncset.done $0x0  }
0x84: {  	[sflag:s14] =	ssyncadd.s32 $0xFFFFFF80  }
0x85: {  	_ =	swait.ge [sflag:s14], $0x80  }
0x86: {  	[sflag:s14] =	ssyncset.done $0x0  }
0x87: {  	[sflag:s14] =	ssyncadd.s32 $0xFFFFFF80  }
0x88: {  	_ =	swait.ge [sflag:s14], $0x80  }
0x89: {  	[sflag:s14] =	ssyncset.done $0x0  }
0x8a: {  	[sflag:s14] =	ssyncadd.s32 $0xFFFFFF80  }
0x8b: {  	_ =	swait.ge [sflag:s14], $0x80  }
0x8c: {  	[sflag:s14] =	ssyncset.done $0x0  }
0x8d: {  	[sflag:s14] =	ssyncadd.s32 $0xFFFFFF80  }
0x8e: {  	_ =	swait.ge [sflag:s14], $0x80  }
0x8f: {  	[sflag:s14] =	ssyncset.done $0x0  }
0x90: {  	[sflag:s14] =	ssyncadd.s32 $0xFFFFFF80  }
0x91: {  	_ =	swait.ge [sflag:s14], $0x80  }
0x92: {  	s17 =	sadd.s32 $0x1, s17;
	[sflag:s14] =	ssyncset.done $0x0  }
0x93: {  	p0 =	sne.s32 s17, s8;
	[sflag:s14] =	ssyncadd.s32 $0xFFFFFF80  }
.Ltmp1:
0x94: {  	[bflag:$0x0] =	sbarrier.arrive $0xFFFF;
	(pc) =	sbr.rel @p0 .LBB2_1-.Ltmp1, $4  }
0x95: {  	[hbm:s7@s15], [sflag:s11] =	dma.strided [spmem:s12@s16], $0x50, s14, $0x10   }
0x96: {  	_ =	swait.ge [sflag:s10], $0x50  }
0x97: {  	[sflag:s10] =	ssyncset.done $0x0  }
0x98: {  	[sflag:s10] =	ssyncadd.s32 $0xFFFFFFB0  }
0x99: {  	_ =	sfence.sel $0x180000  }
0x9a: {  	[bflag:$0x0] =	sbarrier.arrive $0xFFFF  }
0x9b: {  	p0 =	sne.s32 s2, $0x0;
	_ =	strace $0x90000047  }
0x9c: {  	s0 =	sadd.s32 @!p0 $0x100000, s0;
	[bflag:$0x2] =	sbarrier.arrive $0xFFFF  }
0x9d: {  	[sflag:s0] =	ssyncadd.tile.s32 @!p0 $0x1;
	_ =	shalt  }
.Lfunc_end2:
_tile_overlayer_lowered:
.L_overlay_start_2:
0x9e: {  	(tag) =	ssettag $0x2  }
0x9f: {  	s0 =	rddreg [dreg:$0x0];
	s2 =	stileid.u32  }
0xa0: {  	s1 =	rddreg [dreg:$0x1];
	p0 =	sne.s32 s2, $0x0  }
0xa1: {  	s3 =	rddreg [dreg:$0x2];
	[bflag:$0x3] =	sbarrier.arrive $0xFFFF;
	s2 =	simm.s32 @!p0 $0x1C02  }
0xa2: {  	[timem:s3], [sflag:s2] =	dma.local @!p0 [hbm:s0], s1  }
0xa3: {  	s0 =	simm.s32 @!p0 $0x2  }
0xa4: {  	_ =	swait.ge @!p0 [sflag:s0], s1  }
0xa5: {  	s1 =	ssub.s32 @!p0 $0x0, s1;
	[sflag:s0] =	ssyncset.done @!p0 $0x0  }
0xa6: {  	[sflag:s0] =	ssyncadd.s32 @!p0 s1  }
0xa7: {  	[bflag:$0x3] =	sbarrier.arrive $0xFFFF  }
0xa8: {  	_ =	shalt  }

</sc_bundles>
